<compile_context>
chip_gen: v7x
topology: tpu7x:2x2x1
jax: 0.10.2.dev20260603
libtpu: 0.0.44.dev20260713+nightly
codegen_flags: <defaults>
</compile_context>

<pallas_src>
import jax
import jax.numpy as jnp
from jax import lax
from jax.experimental import pallas as pl
from jax.experimental.pallas import tpu as pltpu
from jax.experimental.pallas import tpu_sc as plsc

N = 10000
E = 320000
IN_DIM = 128
HIDDEN = 128
EMB = 64
NB = 2048

NC, NS = 2, 16
NW = NC * NS
NPAD = 10240
RPT = NPAD // NS
EPAD = 327680
CH = 128
NCHT = EPAD // CH
NCH0 = 120
NCH1 = NCHT // NS - NCH0
NBT = (NC * NB) // NW
D = HIDDEN


def _agg_body(src_hbm, dst_hbm, h_hbm, zeros_hbm, out_hbm,
              src_v, dst_v, rows_v, acc_sh, sem):
    c = lax.axis_index("c")
    s = lax.axis_index("s")
    pltpu.sync_copy(zeros_hbm, acc_sh.at[pl.ds(s * RPT, RPT)])
    @pl.when(c == 0)
    def _():
        pltpu.sync_copy(src_hbm.at[pl.ds(s * NCH0, NCH0)],
                        src_v.at[pl.ds(0, NCH0)])
        pltpu.sync_copy(dst_hbm.at[pl.ds(s * NCH0, NCH0)],
                        dst_v.at[pl.ds(0, NCH0)])

    @pl.when(c == 1)
    def _():
        pltpu.sync_copy(src_hbm.at[pl.ds(NS * NCH0 + s * NCH1, NCH1)],
                        src_v.at[pl.ds(0, NCH1)])
        pltpu.sync_copy(dst_hbm.at[pl.ds(NS * NCH0 + s * NCH1, NCH1)],
                        dst_v.at[pl.ds(0, NCH1)])

    plsc.subcore_barrier()
    nch = jnp.where(c == 0, NCH0, NCH1)

    def chunk(i, carry):
        pltpu.async_copy(h_hbm.at[src_v.at[i]], rows_v, sem).wait()
        pltpu.sync_copy(rows_v, acc_sh.at[dst_v.at[i]], add=True)
        return carry

    lax.fori_loop(0, nch, chunk, 0)
    plsc.subcore_barrier()
    pltpu.sync_copy(acc_sh.at[pl.ds(s * RPT, RPT)],
                    out_hbm.at[c, pl.ds(s * RPT, RPT)])


def _sc_agg(src3, dst3, h):
    mesh = plsc.VectorSubcoreMesh(core_axis_name="c", subcore_axis_name="s")
    zeros = jnp.zeros((RPT, D), jnp.float32)
    f = pl.kernel(
        _agg_body,
        out_type=jax.ShapeDtypeStruct((NC, NPAD, D), jnp.float32),
        mesh=mesh,
        scratch_types=[
            pltpu.VMEM((max(NCH0, NCH1), CH), jnp.int32),
            pltpu.VMEM((max(NCH0, NCH1), CH), jnp.int32),
            pltpu.VMEM((CH, D), jnp.float32),
            pltpu.VMEM_SHARED((NPAD, D), jnp.float32),
            pltpu.SemaphoreType.DMA,
        ],
    )
    return f(src3, dst3, h, zeros)


def _zg_body(tab_hbm, idx_hbm, out_hbm, idx_v, rows_v, sem):
    c = lax.axis_index("c")
    s = lax.axis_index("s")
    w = c * NS + s
    pltpu.sync_copy(idx_hbm.at[w], idx_v)
    pltpu.async_copy(tab_hbm.at[idx_v], rows_v, sem).wait()
    pltpu.sync_copy(rows_v, out_hbm.at[pl.ds(w * NBT, NBT)])


def _sc_zgather(tab, idx2):
    mesh = plsc.VectorSubcoreMesh(core_axis_name="c", subcore_axis_name="s")
    f = pl.kernel(
        _zg_body,
        out_type=jax.ShapeDtypeStruct((NC * NB, D), jnp.float32),
        mesh=mesh,
        scratch_types=[
            pltpu.VMEM((NBT,), jnp.int32),
            pltpu.VMEM((NBT, D), jnp.float32),
            pltpu.SemaphoreType.DMA,
        ],
    )
    return f(tab, idx2)


def _mm_body(x_ref, w_ref, o_ref):
    o_ref[...] = lax.dot_general(
        x_ref[...], w_ref[...], (((1,), (0,)), ((), ())),
        preferred_element_type=jnp.float32, precision=lax.Precision.HIGHEST)


def _mm(x, w, bm):
    m, k = x.shape
    _, n = w.shape
    return pl.pallas_call(
        _mm_body,
        grid=(m // bm,),
        in_specs=[pl.BlockSpec((bm, k), lambda i: (i, 0)),
                  pl.BlockSpec((k, n), lambda i: (0, 0))],
        out_specs=pl.BlockSpec((bm, n), lambda i: (i, 0)),
        out_shape=jax.ShapeDtypeStruct((m, n), jnp.float32),
    )(x, w)


def _add_body(p_ref, o_ref):
    o_ref[...] = p_ref[0] + p_ref[1]


def _add(p, bm):
    _, m, k = p.shape
    return pl.pallas_call(
        _add_body,
        grid=(m // bm,),
        in_specs=[pl.BlockSpec((2, bm, k), lambda i: (0, i, 0))],
        out_specs=pl.BlockSpec((bm, k), lambda i: (i, 0)),
        out_shape=jax.ShapeDtypeStruct((m, k), jnp.float32),
    )(p)


def _final_body(z_ref, w_ref, o_ref):
    zz = jnp.maximum(
        lax.dot_general(z_ref[0] + z_ref[1], w_ref[...], (((1,), (0,)), ((), ())),
                        preferred_element_type=jnp.float32,
                        precision=lax.Precision.HIGHEST),
        0.0)
    o_ref[...] = lax.dot_general(
        zz, zz, (((1,), (1,)), ((), ())),
        preferred_element_type=jnp.float32, precision=lax.Precision.HIGHEST)


def _final(z, w):
    return pl.pallas_call(
        _final_body,
        out_shape=jax.ShapeDtypeStruct((NB, NB), jnp.float32),
    )(z, w)


def kernel(adj, features, nodes_batch, W0, W1):
    pad = EPAD - E
    src = jnp.concatenate([adj[0].astype(jnp.int32),
                           jnp.zeros((pad,), jnp.int32)]).reshape(NCHT, CH)
    dst = jnp.concatenate([adj[1].astype(jnp.int32),
                           jnp.full((pad,), NPAD - 1, jnp.int32)]).reshape(NCHT, CH)
    nb = nodes_batch.astype(jnp.int32)
    idx2 = jnp.concatenate([nb, nb + NPAD]).reshape(NW, NBT)

    h1 = _mm(features, W0, 1000)
    p = _sc_agg(src, dst, h1)
    q = _add(p, 1024)
    p2 = _sc_agg(src, dst, q)
    z = _sc_zgather(p2.reshape(NC * NPAD, D), idx2).reshape(NC, NB, D)
    return _final(z, W1)

# --- scband reference (transcript-rebuilt; emitter-appended) ---
"""Pipeline reference for scband-vgae-31490700214327 (READ-ONLY COPY).

The authoritative reference and input builder live on the scoring server;
editing this copy changes nothing except your own understanding.
"""

import jax, jax.numpy as jnp
import numpy as np

N = 10000
E = 320000
IN_DIM = 128
HIDDEN = 128
EMB = 64
NB = 2048


def setup_inputs(seed: int = 0) -> dict:
    key = jax.random.key(seed)
    k1, k2, k3, k4, k5 = jax.random.split(key, 5)
    adj = jax.random.randint(k1, (2, E), 0, N)
    features = jax.random.normal(k2, (N, IN_DIM), dtype=jnp.float32)
    nodes_batch = jax.random.randint(k3, (NB,), 0, N)
    W0 = jax.random.normal(k4, (IN_DIM, HIDDEN), dtype=jnp.float32) * (1.0 / np.sqrt(IN_DIM))
    W1 = jax.random.normal(k5, (HIDDEN, EMB), dtype=jnp.float32) * (1.0 / np.sqrt(HIDDEN))
    return {"adj": adj, "features": features, "nodes_batch": nodes_batch, "W0": W0, "W1": W1}


def _gcn(x, W, adj, n_nodes):
    # GCNConv with normalize=False, add_self_loops=False, bias=False:
    # h = x @ W, then sum-aggregate messages h[src] into dst.
    h = x @ W
    msgs = jnp.take(h, adj[0], axis=0)
    return jax.ops.segment_sum(msgs, adj[1], num_segments=n_nodes)


def reference(adj, features, nodes_batch, W0, W1):
    hidden = _gcn(features, W0, adj, N)
    mean = jax.nn.relu(_gcn(hidden, W1, adj, N))
    # gae=True -> Z = mean (no reparameterization noise)
    Z = jnp.take(mean, nodes_batch, axis=0)
    adj_logits = Z @ Z.T
    return adj_logits

if __name__ == "__main__":
    import jax
    _d = setup_inputs()
    print(jax.jit(kernel)(*tuple(_d.values())))

</pallas_src>

<mosaic_0001>
#map = affine_map<(d0, d1) -> (0, 0)>
module attributes {stable_mosaic.version = 14 : i64} {
  func.func @_zg_body(%arg0: i32, %arg1: i32, %arg2: memref<20480x128xf32, #tpu.memory_space<hbm>>, %arg3: memref<32x128xi32, #tpu.memory_space<hbm>>, %arg4: memref<4096x128xf32, #tpu.memory_space<hbm>>, %arg5: memref<128xi32, #tpu.memory_space<vmem>>, %arg6: memref<128x128xf32, #tpu.memory_space<vmem>>, %arg7: memref<!tpu.dma_semaphore, #tpu.memory_space<semaphore_mem>>) attributes {dimension_semantics = [#tpu.dimension_semantics<core_parallel>, #tpu.dimension_semantics<subcore_parallel>], iteration_bounds = array<i64: 2, 16>, scalar_prefetch = 0 : i64, scratch_operands = 3 : i64, tpu.core_type = #tpu.core_type<sc_vector_subcore>, window_params = [{transform_indices = #map}, {transform_indices = #map}, {transform_indices = #map}]} {
    %mul3A = arith.constant 16 : i32
    %mul3A_0 = arith.muli %arg0, %mul3A : i32
    %add3A = arith.addi %mul3A_0, %arg1 : i32
    "tpu.region"() ({
      %run_scoped3A = tpu.sem_alloc : memref<!tpu.dma_semaphore, #tpu.memory_space<semaphore_mem>>
      %dma_start3A_7 = arith.constant 0 : i32
      %dma_start3A_8 = tpu.memref_slice %arg3[%add3A, %dma_start3A_7] : memref<32x128xi32, #tpu.memory_space<hbm>> -> memref<1x128xi32, #tpu.memory_space<hbm>>
      %dma_start3A_9 = tpu.memref_squeeze %dma_start3A_8 : memref<1x128xi32, #tpu.memory_space<hbm>> -> memref<128xi32, #tpu.memory_space<hbm>>
      %dma_start3A_10 = arith.constant 0 : i32
      %dma_start3A_11 = tpu.memref_slice %arg3[%add3A, %dma_start3A_10] : memref<32x128xi32, #tpu.memory_space<hbm>> -> memref<1x128xi32, #tpu.memory_space<hbm>>
      %dma_start3A_12 = tpu.memref_squeeze %dma_start3A_11 : memref<1x128xi32, #tpu.memory_space<hbm>> -> memref<128xi32, #tpu.memory_space<hbm>>
      tpu.enqueue_dma source(%dma_start3A_12 : memref<128xi32, #tpu.memory_space<hbm>>) target(%arg5 : memref<128xi32, #tpu.memory_space<vmem>>) target_semaphore(%run_scoped3A : memref<!tpu.dma_semaphore, #tpu.memory_space<semaphore_mem>>)
      %dma_wait3A_13 = arith.constant 0 : i32
      %dma_wait3A_14 = tpu.memref_slice %arg3[%add3A, %dma_wait3A_13] : memref<32x128xi32, #tpu.memory_space<hbm>> -> memref<1x128xi32, #tpu.memory_space<hbm>>
      %dma_wait3A_15 = tpu.memref_squeeze %dma_wait3A_14 : memref<1x128xi32, #tpu.memory_space<hbm>> -> memref<128xi32, #tpu.memory_space<hbm>>
      %dma_wait3A_16 = arith.constant 0 : i32
      %dma_wait3A_17 = tpu.memref_slice %arg3[%add3A, %dma_wait3A_16] : memref<32x128xi32, #tpu.memory_space<hbm>> -> memref<1x128xi32, #tpu.memory_space<hbm>>
      %dma_wait3A_18 = tpu.memref_squeeze %dma_wait3A_17 : memref<1x128xi32, #tpu.memory_space<hbm>> -> memref<128xi32, #tpu.memory_space<hbm>>
      tpu.wait_dma2 semaphore(%run_scoped3A : memref<!tpu.dma_semaphore, #tpu.memory_space<semaphore_mem>>) src(%dma_wait3A_18 : memref<128xi32, #tpu.memory_space<hbm>>) dst(%arg5 : memref<128xi32, #tpu.memory_space<vmem>>)
      tpu.yield
    }) : () -> ()
    %dma_start3A = arith.constant 0 : i32
    %dma_start3A_1 = arith.constant 0 : i32
    %dma_start3A_2 = tpu.memref_slice %arg2[%dma_start3A, %dma_start3A_1] : memref<20480x128xf32, #tpu.memory_space<hbm>> -> memref<20480x128xf32, #tpu.memory_space<hbm>>
    tpu.enqueue_indirect_dma source(%dma_start3A_2 : memref<20480x128xf32, #tpu.memory_space<hbm>>) target(%arg6 : memref<128x128xf32, #tpu.memory_space<vmem>>) offsets(%arg5 : memref<128xi32, #tpu.memory_space<vmem>>) semaphore(%arg7 : memref<!tpu.dma_semaphore, #tpu.memory_space<semaphore_mem>>)
    %dma_wait3A = arith.constant 0 : i32
    %dma_wait3A_3 = arith.constant 0 : i32
    %dma_wait3A_4 = tpu.memref_slice %arg2[%dma_wait3A, %dma_wait3A_3] : memref<20480x128xf32, #tpu.memory_space<hbm>> -> memref<20480x128xf32, #tpu.memory_space<hbm>>
    tpu.wait_indirect_dma semaphore(%arg7 : memref<!tpu.dma_semaphore, #tpu.memory_space<semaphore_mem>>) src(%dma_wait3A_4 : memref<20480x128xf32, #tpu.memory_space<hbm>>) dst(%arg6 : memref<128x128xf32, #tpu.memory_space<vmem>>)
    %mul3A_5 = arith.constant 128 : i32
    %mul3A_6 = arith.muli %add3A, %mul3A_5 : i32
    "tpu.region"() ({
      %run_scoped3A = tpu.sem_alloc : memref<!tpu.dma_semaphore, #tpu.memory_space<semaphore_mem>>
      %dma_start3A_7 = arith.constant 0 : i32
      %dma_start3A_8 = tpu.memref_slice %arg4[%mul3A_6, %dma_start3A_7] : memref<4096x128xf32, #tpu.memory_space<hbm>> -> memref<128x128xf32, #tpu.memory_space<hbm>>
      %dma_start3A_9 = arith.constant 0 : i32
      %dma_start3A_10 = tpu.memref_slice %arg4[%mul3A_6, %dma_start3A_9] : memref<4096x128xf32, #tpu.memory_space<hbm>> -> memref<128x128xf32, #tpu.memory_space<hbm>>
      tpu.enqueue_dma source(%arg6 : memref<128x128xf32, #tpu.memory_space<vmem>>) target(%dma_start3A_10 : memref<128x128xf32, #tpu.memory_space<hbm>>) target_semaphore(%run_scoped3A : memref<!tpu.dma_semaphore, #tpu.memory_space<semaphore_mem>>)
      %dma_wait3A_11 = arith.constant 0 : i32
      %dma_wait3A_12 = tpu.memref_slice %arg4[%mul3A_6, %dma_wait3A_11] : memref<4096x128xf32, #tpu.memory_space<hbm>> -> memref<128x128xf32, #tpu.memory_space<hbm>>
      %dma_wait3A_13 = arith.constant 0 : i32
      %dma_wait3A_14 = tpu.memref_slice %arg4[%mul3A_6, %dma_wait3A_13] : memref<4096x128xf32, #tpu.memory_space<hbm>> -> memref<128x128xf32, #tpu.memory_space<hbm>>
      tpu.wait_dma2 semaphore(%run_scoped3A : memref<!tpu.dma_semaphore, #tpu.memory_space<semaphore_mem>>) src(%arg6 : memref<128x128xf32, #tpu.memory_space<vmem>>) dst(%dma_wait3A_14 : memref<128x128xf32, #tpu.memory_space<hbm>>)
      tpu.yield
    }) : () -> ()
    return
  }
}

#map = affine_map<(d0, d1) -> (0, 0)>
#map1 = affine_map<(d0, d1) -> (0, 0, 0)>
module attributes {stable_mosaic.version = 14 : i64} {
  func.func @_agg_body(%arg0: i32, %arg1: i32, %arg2: memref<2560x128xi32, #tpu.memory_space<hbm>>, %arg3: memref<2560x128xi32, #tpu.memory_space<hbm>>, %arg4: memref<10000x128xf32, #tpu.memory_space<hbm>>, %arg5: memref<640x128xf32, #tpu.memory_space<hbm>>, %arg6: memref<2x10240x128xf32, #tpu.memory_space<hbm>>, %arg7: memref<120x128xi32, #tpu.memory_space<vmem>>, %arg8: memref<120x128xi32, #tpu.memory_space<vmem>>, %arg9: memref<128x128xf32, #tpu.memory_space<vmem>>, %arg10: memref<10240x128xf32, #tpu.memory_space<vmem_shared>>, %arg11: memref<!tpu.dma_semaphore, #tpu.memory_space<semaphore_mem>>) attributes {dimension_semantics = [#tpu.dimension_semantics<core_parallel>, #tpu.dimension_semantics<subcore_parallel>], iteration_bounds = array<i64: 2, 16>, scalar_prefetch = 0 : i64, scratch_operands = 5 : i64, tpu.core_type = #tpu.core_type<sc_vector_subcore>, window_params = [{transform_indices = #map}, {transform_indices = #map}, {transform_indices = #map}, {transform_indices = #map}, {transform_indices = #map1}]} {
    %mul3A = arith.constant 640 : i32
    %mul3A_0 = arith.muli %arg1, %mul3A : i32
    "tpu.region"() ({
      %run_scoped3A = tpu.sem_alloc : memref<!tpu.dma_semaphore, #tpu.memory_space<semaphore_mem>>
      %dma_start3A = arith.constant 0 : i32
      %dma_start3A_25 = tpu.memref_slice %arg10[%mul3A_0, %dma_start3A] : memref<10240x128xf32, #tpu.memory_space<vmem_shared>> -> memref<640x128xf32, #tpu.memory_space<vmem_shared>>
      tpu.enqueue_dma source(%arg5 : memref<640x128xf32, #tpu.memory_space<hbm>>) target(%dma_start3A_25 : memref<640x128xf32, #tpu.memory_space<vmem_shared>>) target_semaphore(%run_scoped3A : memref<!tpu.dma_semaphore, #tpu.memory_space<semaphore_mem>>)
      %dma_wait3A = arith.constant 0 : i32
      %dma_wait3A_26 = tpu.memref_slice %arg10[%mul3A_0, %dma_wait3A] : memref<10240x128xf32, #tpu.memory_space<vmem_shared>> -> memref<640x128xf32, #tpu.memory_space<vmem_shared>>
      tpu.wait_dma2 semaphore(%run_scoped3A : memref<!tpu.dma_semaphore, #tpu.memory_space<semaphore_mem>>) src(%arg5 : memref<640x128xf32, #tpu.memory_space<hbm>>) dst(%dma_wait3A_26 : memref<640x128xf32, #tpu.memory_space<vmem_shared>>)
      tpu.yield
    }) : () -> ()
    %eq3A = arith.constant 0 : i32
    %eq3A_1 = arith.cmpi eq, %arg0, %eq3A : i32
    %convert_element_type3A = arith.extui %eq3A_1 : i1 to i32
    %cond3A = arith.constant 0 : i32
    %cond3A_2 = arith.cmpi ne, %convert_element_type3A, %cond3A : i32
    scf.if %cond3A_2 {
      %mul3A_25 = arith.constant 120 : i32
      %mul3A_26 = arith.muli %arg1, %mul3A_25 : i32
      "tpu.region"() ({
        %run_scoped3A = tpu.sem_alloc : memref<!tpu.dma_semaphore, #tpu.memory_space<semaphore_mem>>
        %dma_start3A = arith.constant 0 : i32
        %dma_start3A_29 = arith.constant 0 : i32
        %dma_start3A_30 = tpu.memref_slice %arg7[%dma_start3A, %dma_start3A_29] : memref<120x128xi32, #tpu.memory_space<vmem>> -> memref<120x128xi32, #tpu.memory_space<vmem>>
        %dma_start3A_31 = arith.constant 0 : i32
        %dma_start3A_32 = tpu.memref_slice %arg2[%mul3A_26, %dma_start3A_31] : memref<2560x128xi32, #tpu.memory_space<hbm>> -> memref<120x128xi32, #tpu.memory_space<hbm>>
        %dma_start3A_33 = arith.constant 0 : i32
        %dma_start3A_34 = arith.constant 0 : i32
        %dma_start3A_35 = tpu.memref_slice %arg7[%dma_start3A_33, %dma_start3A_34] : memref<120x128xi32, #tpu.memory_space<vmem>> -> memref<120x128xi32, #tpu.memory_space<vmem>>
        %dma_start3A_36 = arith.constant 0 : i32
        %dma_start3A_37 = tpu.memref_slice %arg2[%mul3A_26, %dma_start3A_36] : memref<2560x128xi32, #tpu.memory_space<hbm>> -> memref<120x128xi32, #tpu.memory_space<hbm>>
        tpu.enqueue_dma source(%dma_start3A_37 : memref<120x128xi32, #tpu.memory_space<hbm>>) target(%dma_start3A_35 : memref<120x128xi32, #tpu.memory_space<vmem>>) target_semaphore(%run_scoped3A : memref<!tpu.dma_semaphore, #tpu.memory_space<semaphore_mem>>)
        %dma_wait3A = arith.constant 0 : i32
        %dma_wait3A_38 = arith.constant 0 : i32
        %dma_wait3A_39 = tpu.memref_slice %arg7[%dma_wait3A, %dma_wait3A_38] : memref<120x128xi32, #tpu.memory_space<vmem>> -> memref<120x128xi32, #tpu.memory_space<vmem>>
        %dma_wait3A_40 = arith.constant 0 : i32
        %dma_wait3A_41 = tpu.memref_slice %arg2[%mul3A_26, %dma_wait3A_40] : memref<2560x128xi32, #tpu.memory_space<hbm>> -> memref<120x128xi32, #tpu.memory_space<hbm>>
        %dma_wait3A_42 = arith.constant 0 : i32
        %dma_wait3A_43 = arith.constant 0 : i32
        %dma_wait3A_44 = tpu.memref_slice %arg7[%dma_wait3A_42, %dma_wait3A_43] : memref<120x128xi32, #tpu.memory_space<vmem>> -> memref<120x128xi32, #tpu.memory_space<vmem>>
        %dma_wait3A_45 = arith.constant 0 : i32
        %dma_wait3A_46 = tpu.memref_slice %arg2[%mul3A_26, %dma_wait3A_45] : memref<2560x128xi32, #tpu.memory_space<hbm>> -> memref<120x128xi32, #tpu.memory_space<hbm>>
        tpu.wait_dma2 semaphore(%run_scoped3A : memref<!tpu.dma_semaphore, #tpu.memory_space<semaphore_mem>>) src(%dma_wait3A_46 : memref<120x128xi32, #tpu.memory_space<hbm>>) dst(%dma_wait3A_44 : memref<120x128xi32, #tpu.memory_space<vmem>>)
        tpu.yield
      }) : () -> ()
      %mul3A_27 = arith.constant 120 : i32
      %mul3A_28 = arith.muli %arg1, %mul3A_27 : i32
      "tpu.region"() ({
        %run_scoped3A = tpu.sem_alloc : memref<!tpu.dma_semaphore, #tpu.memory_space<semaphore_mem>>
        %dma_start3A = arith.constant 0 : i32
        %dma_start3A_29 = arith.constant 0 : i32
        %dma_start3A_30 = tpu.memref_slice %arg8[%dma_start3A, %dma_start3A_29] : memref<120x128xi32, #tpu.memory_space<vmem>> -> memref<120x128xi32, #tpu.memory_space<vmem>>
        %dma_start3A_31 = arith.constant 0 : i32
        %dma_start3A_32 = tpu.memref_slice %arg3[%mul3A_28, %dma_start3A_31] : memref<2560x128xi32, #tpu.memory_space<hbm>> -> memref<120x128xi32, #tpu.memory_space<hbm>>
        %dma_start3A_33 = arith.constant 0 : i32
        %dma_start3A_34 = arith.constant 0 : i32
        %dma_start3A_35 = tpu.memref_slice %arg8[%dma_start3A_33, %dma_start3A_34] : memref<120x128xi32, #tpu.memory_space<vmem>> -> memref<120x128xi32, #tpu.memory_space<vmem>>
        %dma_start3A_36 = arith.constant 0 : i32
        %dma_start3A_37 = tpu.memref_slice %arg3[%mul3A_28, %dma_start3A_36] : memref<2560x128xi32, #tpu.memory_space<hbm>> -> memref<120x128xi32, #tpu.memory_space<hbm>>
        tpu.enqueue_dma source(%dma_start3A_37 : memref<120x128xi32, #tpu.memory_space<hbm>>) target(%dma_start3A_35 : memref<120x128xi32, #tpu.memory_space<vmem>>) target_semaphore(%run_scoped3A : memref<!tpu.dma_semaphore, #tpu.memory_space<semaphore_mem>>)
        %dma_wait3A = arith.constant 0 : i32
        %dma_wait3A_38 = arith.constant 0 : i32
        %dma_wait3A_39 = tpu.memref_slice %arg8[%dma_wait3A, %dma_wait3A_38] : memref<120x128xi32, #tpu.memory_space<vmem>> -> memref<120x128xi32, #tpu.memory_space<vmem>>
        %dma_wait3A_40 = arith.constant 0 : i32
        %dma_wait3A_41 = tpu.memref_slice %arg3[%mul3A_28, %dma_wait3A_40] : memref<2560x128xi32, #tpu.memory_space<hbm>> -> memref<120x128xi32, #tpu.memory_space<hbm>>
        %dma_wait3A_42 = arith.constant 0 : i32
        %dma_wait3A_43 = arith.constant 0 : i32
        %dma_wait3A_44 = tpu.memref_slice %arg8[%dma_wait3A_42, %dma_wait3A_43] : memref<120x128xi32, #tpu.memory_space<vmem>> -> memref<120x128xi32, #tpu.memory_space<vmem>>
        %dma_wait3A_45 = arith.constant 0 : i32
        %dma_wait3A_46 = tpu.memref_slice %arg3[%mul3A_28, %dma_wait3A_45] : memref<2560x128xi32, #tpu.memory_space<hbm>> -> memref<120x128xi32, #tpu.memory_space<hbm>>
        tpu.wait_dma2 semaphore(%run_scoped3A : memref<!tpu.dma_semaphore, #tpu.memory_space<semaphore_mem>>) src(%dma_wait3A_46 : memref<120x128xi32, #tpu.memory_space<hbm>>) dst(%dma_wait3A_44 : memref<120x128xi32, #tpu.memory_space<vmem>>)
        tpu.yield
      }) : () -> ()
    } else {
    }
    %eq3A_3 = arith.constant 1 : i32
    %eq3A_4 = arith.cmpi eq, %arg0, %eq3A_3 : i32
    %convert_element_type3A_5 = arith.extui %eq3A_4 : i1 to i32
    %cond3A_6 = arith.constant 0 : i32
    %cond3A_7 = arith.cmpi ne, %convert_element_type3A_5, %cond3A_6 : i32
    scf.if %cond3A_7 {
      %mul3A_25 = arith.constant 40 : i32
      %mul3A_26 = arith.muli %arg1, %mul3A_25 : i32
      %add3A = arith.constant 1920 : i32
      %add3A_27 = arith.addi %add3A, %mul3A_26 : i32
      "tpu.region"() ({
        %run_scoped3A = tpu.sem_alloc : memref<!tpu.dma_semaphore, #tpu.memory_space<semaphore_mem>>
        %dma_start3A = arith.constant 0 : i32
        %dma_start3A_32 = arith.constant 0 : i32
        %dma_start3A_33 = tpu.memref_slice %arg7[%dma_start3A, %dma_start3A_32] : memref<120x128xi32, #tpu.memory_space<vmem>> -> memref<40x128xi32, #tpu.memory_space<vmem>>
        %dma_start3A_34 = arith.constant 0 : i32
        %dma_start3A_35 = tpu.memref_slice %arg2[%add3A_27, %dma_start3A_34] : memref<2560x128xi32, #tpu.memory_space<hbm>> -> memref<40x128xi32, #tpu.memory_space<hbm>>
        %dma_start3A_36 = arith.constant 0 : i32
        %dma_start3A_37 = arith.constant 0 : i32
        %dma_start3A_38 = tpu.memref_slice %arg7[%dma_start3A_36, %dma_start3A_37] : memref<120x128xi32, #tpu.memory_space<vmem>> -> memref<40x128xi32, #tpu.memory_space<vmem>>
        %dma_start3A_39 = arith.constant 0 : i32
        %dma_start3A_40 = tpu.memref_slice %arg2[%add3A_27, %dma_start3A_39] : memref<2560x128xi32, #tpu.memory_space<hbm>> -> memref<40x128xi32, #tpu.memory_space<hbm>>
        tpu.enqueue_dma source(%dma_start3A_40 : memref<40x128xi32, #tpu.memory_space<hbm>>) target(%dma_start3A_38 : memref<40x128xi32, #tpu.memory_space<vmem>>) target_semaphore(%run_scoped3A : memref<!tpu.dma_semaphore, #tpu.memory_space<semaphore_mem>>)
        %dma_wait3A = arith.constant 0 : i32
        %dma_wait3A_41 = arith.constant 0 : i32
        %dma_wait3A_42 = tpu.memref_slice %arg7[%dma_wait3A, %dma_wait3A_41] : memref<120x128xi32, #tpu.memory_space<vmem>> -> memref<40x128xi32, #tpu.memory_space<vmem>>
        %dma_wait3A_43 = arith.constant 0 : i32
        %dma_wait3A_44 = tpu.memref_slice %arg2[%add3A_27, %dma_wait3A_43] : memref<2560x128xi32, #tpu.memory_space<hbm>> -> memref<40x128xi32, #tpu.memory_space<hbm>>
        %dma_wait3A_45 = arith.constant 0 : i32
        %dma_wait3A_46 = arith.constant 0 : i32
        %dma_wait3A_47 = tpu.memref_slice %arg7[%dma_wait3A_45, %dma_wait3A_46] : memref<120x128xi32, #tpu.memory_space<vmem>> -> memref<40x128xi32, #tpu.memory_space<vmem>>
        %dma_wait3A_48 = arith.constant 0 : i32
        %dma_wait3A_49 = tpu.memref_slice %arg2[%add3A_27, %dma_wait3A_48] : memref<2560x128xi32, #tpu.memory_space<hbm>> -> memref<40x128xi32, #tpu.memory_space<hbm>>
        tpu.wait_dma2 semaphore(%run_scoped3A : memref<!tpu.dma_semaphore, #tpu.memory_space<semaphore_mem>>) src(%dma_wait3A_49 : memref<40x128xi32, #tpu.memory_space<hbm>>) dst(%dma_wait3A_47 : memref<40x128xi32, #tpu.memory_space<vmem>>)
        tpu.yield
      }) : () -> ()
      %mul3A_28 = arith.constant 40 : i32
      %mul3A_29 = arith.muli %arg1, %mul3A_28 : i32
      %add3A_30 = arith.constant 1920 : i32
      %add3A_31 = arith.addi %add3A_30, %mul3A_29 : i32
      "tpu.region"() ({
        %run_scoped3A = tpu.sem_alloc : memref<!tpu.dma_semaphore, #tpu.memory_space<semaphore_mem>>
        %dma_start3A = arith.constant 0 : i32
        %dma_start3A_32 = arith.constant 0 : i32
        %dma_start3A_33 = tpu.memref_slice %arg8[%dma_start3A, %dma_start3A_32] : memref<120x128xi32, #tpu.memory_space<vmem>> -> memref<40x128xi32, #tpu.memory_space<vmem>>
        %dma_start3A_34 = arith.constant 0 : i32
        %dma_start3A_35 = tpu.memref_slice %arg3[%add3A_31, %dma_start3A_34] : memref<2560x128xi32, #tpu.memory_space<hbm>> -> memref<40x128xi32, #tpu.memory_space<hbm>>
        %dma_start3A_36 = arith.constant 0 : i32
        %dma_start3A_37 = arith.constant 0 : i32
        %dma_start3A_38 = tpu.memref_slice %arg8[%dma_start3A_36, %dma_start3A_37] : memref<120x128xi32, #tpu.memory_space<vmem>> -> memref<40x128xi32, #tpu.memory_space<vmem>>
        %dma_start3A_39 = arith.constant 0 : i32
        %dma_start3A_40 = tpu.memref_slice %arg3[%add3A_31, %dma_start3A_39] : memref<2560x128xi32, #tpu.memory_space<hbm>> -> memref<40x128xi32, #tpu.memory_space<hbm>>
        tpu.enqueue_dma source(%dma_start3A_40 : memref<40x128xi32, #tpu.memory_space<hbm>>) target(%dma_start3A_38 : memref<40x128xi32, #tpu.memory_space<vmem>>) target_semaphore(%run_scoped3A : memref<!tpu.dma_semaphore, #tpu.memory_space<semaphore_mem>>)
        %dma_wait3A = arith.constant 0 : i32
        %dma_wait3A_41 = arith.constant 0 : i32
        %dma_wait3A_42 = tpu.memref_slice %arg8[%dma_wait3A, %dma_wait3A_41] : memref<120x128xi32, #tpu.memory_space<vmem>> -> memref<40x128xi32, #tpu.memory_space<vmem>>
        %dma_wait3A_43 = arith.constant 0 : i32
        %dma_wait3A_44 = tpu.memref_slice %arg3[%add3A_31, %dma_wait3A_43] : memref<2560x128xi32, #tpu.memory_space<hbm>> -> memref<40x128xi32, #tpu.memory_space<hbm>>
        %dma_wait3A_45 = arith.constant 0 : i32
        %dma_wait3A_46 = arith.constant 0 : i32
        %dma_wait3A_47 = tpu.memref_slice %arg8[%dma_wait3A_45, %dma_wait3A_46] : memref<120x128xi32, #tpu.memory_space<vmem>> -> memref<40x128xi32, #tpu.memory_space<vmem>>
        %dma_wait3A_48 = arith.constant 0 : i32
        %dma_wait3A_49 = tpu.memref_slice %arg3[%add3A_31, %dma_wait3A_48] : memref<2560x128xi32, #tpu.memory_space<hbm>> -> memref<40x128xi32, #tpu.memory_space<hbm>>
        tpu.wait_dma2 semaphore(%run_scoped3A : memref<!tpu.dma_semaphore, #tpu.memory_space<semaphore_mem>>) src(%dma_wait3A_49 : memref<40x128xi32, #tpu.memory_space<hbm>>) dst(%dma_wait3A_47 : memref<40x128xi32, #tpu.memory_space<vmem>>)
        tpu.yield
      }) : () -> ()
    } else {
    }
    %barrier3A = arith.constant 0 : index
    tpu.barrier barrier_id(%barrier3A)
    %eq3A_8 = arith.constant 0 : i32
    %eq3A_9 = arith.cmpi eq, %arg0, %eq3A_8 : i32
    %jit3A = arith.constant 120 : i32
    %jit3A_10 = arith.constant 40 : i32
    %select_n3A = arith.select %eq3A_9, %jit3A, %jit3A_10 : i32
    %while3A = arith.constant 0 : i32
    %while3A_11 = arith.constant 0 : i32
    %while3A_12 = arith.subi %select_n3A, %while3A_11 : i32
    %while3A_13 = arith.addi %while3A_11, %while3A_12 : i32
    %while3A_14 = arith.constant 1 : i32
    %while3A_15 = arith.divsi %while3A_12, %while3A_14 : i32
    %while3A_16 = arith.muli %while3A_15, %while3A_14 : i32
    %while3A_17 = arith.addi %while3A_11, %while3A_16 : i32
    %while3A_18 = arith.constant 1 : i32
    scf.for %while3A_25 = %while3A_11 to %while3A_17 step %while3A_18  : i32 {
      %dma_start3A = arith.constant 0 : i32
      %dma_start3A_26 = tpu.memref_slice %arg7[%while3A_25, %dma_start3A] : memref<120x128xi32, #tpu.memory_space<vmem>> -> memref<1x128xi32, #tpu.memory_space<vmem>>
      %dma_start3A_27 = tpu.memref_squeeze %dma_start3A_26 : memref<1x128xi32, #tpu.memory_space<vmem>> -> memref<128xi32, #tpu.memory_space<vmem>>
      %dma_start3A_28 = arith.constant 0 : i32
      %dma_start3A_29 = arith.constant 0 : i32
      %dma_start3A_30 = tpu.memref_slice %arg4[%dma_start3A_28, %dma_start3A_29] : memref<10000x128xf32, #tpu.memory_space<hbm>> -> memref<10000x128xf32, #tpu.memory_space<hbm>>
      tpu.enqueue_indirect_dma source(%dma_start3A_30 : memref<10000x128xf32, #tpu.memory_space<hbm>>) target(%arg9 : memref<128x128xf32, #tpu.memory_space<vmem>>) offsets(%dma_start3A_27 : memref<128xi32, #tpu.memory_space<vmem>>) semaphore(%arg11 : memref<!tpu.dma_semaphore, #tpu.memory_space<semaphore_mem>>)
      %dma_wait3A = arith.constant 0 : i32
      %dma_wait3A_31 = tpu.memref_slice %arg7[%while3A_25, %dma_wait3A] : memref<120x128xi32, #tpu.memory_space<vmem>> -> memref<1x128xi32, #tpu.memory_space<vmem>>
      %dma_wait3A_32 = tpu.memref_squeeze %dma_wait3A_31 : memref<1x128xi32, #tpu.memory_space<vmem>> -> memref<128xi32, #tpu.memory_space<vmem>>
      %dma_wait3A_33 = arith.constant 0 : i32
      %dma_wait3A_34 = arith.constant 0 : i32
      %dma_wait3A_35 = tpu.memref_slice %arg4[%dma_wait3A_33, %dma_wait3A_34] : memref<10000x128xf32, #tpu.memory_space<hbm>> -> memref<10000x128xf32, #tpu.memory_space<hbm>>
      tpu.wait_indirect_dma semaphore(%arg11 : memref<!tpu.dma_semaphore, #tpu.memory_space<semaphore_mem>>) src(%dma_wait3A_35 : memref<10000x128xf32, #tpu.memory_space<hbm>>) dst(%arg9 : memref<128x128xf32, #tpu.memory_space<vmem>>)
      "tpu.region"() ({
        %run_scoped3A = tpu.sem_alloc : memref<!tpu.dma_semaphore, #tpu.memory_space<semaphore_mem>>
        %dma_start3A_36 = arith.constant 0 : i32
        %dma_start3A_37 = tpu.memref_slice %arg8[%while3A_25, %dma_start3A_36] : memref<120x128xi32, #tpu.memory_space<vmem>> -> memref<1x128xi32, #tpu.memory_space<vmem>>
        %dma_start3A_38 = tpu.memref_squeeze %dma_start3A_37 : memref<1x128xi32, #tpu.memory_space<vmem>> -> memref<128xi32, #tpu.memory_space<vmem>>
        %dma_start3A_39 = arith.constant 0 : i32
        %dma_start3A_40 = arith.constant 0 : i32
        %dma_start3A_41 = tpu.memref_slice %arg10[%dma_start3A_39, %dma_start3A_40] : memref<10240x128xf32, #tpu.memory_space<vmem_shared>> -> memref<10240x128xf32, #tpu.memory_space<vmem_shared>>
        tpu.enqueue_indirect_dma source(%arg9 : memref<128x128xf32, #tpu.memory_space<vmem>>) target(%dma_start3A_41 : memref<10240x128xf32, #tpu.memory_space<vmem_shared>>) offsets(%dma_start3A_38 : memref<128xi32, #tpu.memory_space<vmem>>) semaphore(%run_scoped3A : memref<!tpu.dma_semaphore, #tpu.memory_space<semaphore_mem>>) {add = true}
        %dma_wait3A_42 = arith.constant 0 : i32
        %dma_wait3A_43 = tpu.memref_slice %arg8[%while3A_25, %dma_wait3A_42] : memref<120x128xi32, #tpu.memory_space<vmem>> -> memref<1x128xi32, #tpu.memory_space<vmem>>
        %dma_wait3A_44 = tpu.memref_squeeze %dma_wait3A_43 : memref<1x128xi32, #tpu.memory_space<vmem>> -> memref<128xi32, #tpu.memory_space<vmem>>
        %dma_wait3A_45 = arith.constant 0 : i32
        %dma_wait3A_46 = arith.constant 0 : i32
        %dma_wait3A_47 = tpu.memref_slice %arg10[%dma_wait3A_45, %dma_wait3A_46] : memref<10240x128xf32, #tpu.memory_space<vmem_shared>> -> memref<10240x128xf32, #tpu.memory_space<vmem_shared>>
        tpu.wait_indirect_dma semaphore(%run_scoped3A : memref<!tpu.dma_semaphore, #tpu.memory_space<semaphore_mem>>) src(%arg9 : memref<128x128xf32, #tpu.memory_space<vmem>>) dst(%dma_wait3A_47 : memref<10240x128xf32, #tpu.memory_space<vmem_shared>>)
        tpu.yield
      }) : () -> ()
    }
    %while3A_19 = arith.constant 1 : i32
    scf.for %while3A_25 = %while3A_17 to %while3A_13 step %while3A_19  : i32 {
      %dma_start3A = arith.constant 0 : i32
      %dma_start3A_26 = tpu.memref_slice %arg7[%while3A_25, %dma_start3A] : memref<120x128xi32, #tpu.memory_space<vmem>> -> memref<1x128xi32, #tpu.memory_space<vmem>>
      %dma_start3A_27 = tpu.memref_squeeze %dma_start3A_26 : memref<1x128xi32, #tpu.memory_space<vmem>> -> memref<128xi32, #tpu.memory_space<vmem>>
      %dma_start3A_28 = arith.constant 0 : i32
      %dma_start3A_29 = arith.constant 0 : i32
      %dma_start3A_30 = tpu.memref_slice %arg4[%dma_start3A_28, %dma_start3A_29] : memref<10000x128xf32, #tpu.memory_space<hbm>> -> memref<10000x128xf32, #tpu.memory_space<hbm>>
      tpu.enqueue_indirect_dma source(%dma_start3A_30 : memref<10000x128xf32, #tpu.memory_space<hbm>>) target(%arg9 : memref<128x128xf32, #tpu.memory_space<vmem>>) offsets(%dma_start3A_27 : memref<128xi32, #tpu.memory_space<vmem>>) semaphore(%arg11 : memref<!tpu.dma_semaphore, #tpu.memory_space<semaphore_mem>>)
      %dma_wait3A = arith.constant 0 : i32
      %dma_wait3A_31 = tpu.memref_slice %arg7[%while3A_25, %dma_wait3A] : memref<120x128xi32, #tpu.memory_space<vmem>> -> memref<1x128xi32, #tpu.memory_space<vmem>>
      %dma_wait3A_32 = tpu.memref_squeeze %dma_wait3A_31 : memref<1x128xi32, #tpu.memory_space<vmem>> -> memref<128xi32, #tpu.memory_space<vmem>>
      %dma_wait3A_33 = arith.constant 0 : i32
      %dma_wait3A_34 = arith.constant 0 : i32
      %dma_wait3A_35 = tpu.memref_slice %arg4[%dma_wait3A_33, %dma_wait3A_34] : memref<10000x128xf32, #tpu.memory_space<hbm>> -> memref<10000x128xf32, #tpu.memory_space<hbm>>
      tpu.wait_indirect_dma semaphore(%arg11 : memref<!tpu.dma_semaphore, #tpu.memory_space<semaphore_mem>>) src(%dma_wait3A_35 : memref<10000x128xf32, #tpu.memory_space<hbm>>) dst(%arg9 : memref<128x128xf32, #tpu.memory_space<vmem>>)
      "tpu.region"() ({
        %run_scoped3A = tpu.sem_alloc : memref<!tpu.dma_semaphore, #tpu.memory_space<semaphore_mem>>
        %dma_start3A_36 = arith.constant 0 : i32
        %dma_start3A_37 = tpu.memref_slice %arg8[%while3A_25, %dma_start3A_36] : memref<120x128xi32, #tpu.memory_space<vmem>> -> memref<1x128xi32, #tpu.memory_space<vmem>>
        %dma_start3A_38 = tpu.memref_squeeze %dma_start3A_37 : memref<1x128xi32, #tpu.memory_space<vmem>> -> memref<128xi32, #tpu.memory_space<vmem>>
        %dma_start3A_39 = arith.constant 0 : i32
        %dma_start3A_40 = arith.constant 0 : i32
        %dma_start3A_41 = tpu.memref_slice %arg10[%dma_start3A_39, %dma_start3A_40] : memref<10240x128xf32, #tpu.memory_space<vmem_shared>> -> memref<10240x128xf32, #tpu.memory_space<vmem_shared>>
        tpu.enqueue_indirect_dma source(%arg9 : memref<128x128xf32, #tpu.memory_space<vmem>>) target(%dma_start3A_41 : memref<10240x128xf32, #tpu.memory_space<vmem_shared>>) offsets(%dma_start3A_38 : memref<128xi32, #tpu.memory_space<vmem>>) semaphore(%run_scoped3A : memref<!tpu.dma_semaphore, #tpu.memory_space<semaphore_mem>>) {add = true}
        %dma_wait3A_42 = arith.constant 0 : i32
        %dma_wait3A_43 = tpu.memref_slice %arg8[%while3A_25, %dma_wait3A_42] : memref<120x128xi32, #tpu.memory_space<vmem>> -> memref<1x128xi32, #tpu.memory_space<vmem>>
        %dma_wait3A_44 = tpu.memref_squeeze %dma_wait3A_43 : memref<1x128xi32, #tpu.memory_space<vmem>> -> memref<128xi32, #tpu.memory_space<vmem>>
        %dma_wait3A_45 = arith.constant 0 : i32
        %dma_wait3A_46 = arith.constant 0 : i32
        %dma_wait3A_47 = tpu.memref_slice %arg10[%dma_wait3A_45, %dma_wait3A_46] : memref<10240x128xf32, #tpu.memory_space<vmem_shared>> -> memref<10240x128xf32, #tpu.memory_space<vmem_shared>>
        tpu.wait_indirect_dma semaphore(%run_scoped3A : memref<!tpu.dma_semaphore, #tpu.memory_space<semaphore_mem>>) src(%arg9 : memref<128x128xf32, #tpu.memory_space<vmem>>) dst(%dma_wait3A_47 : memref<10240x128xf32, #tpu.memory_space<vmem_shared>>)
        tpu.yield
      }) : () -> ()
    }
    %barrier3A_20 = arith.constant 0 : index
    tpu.barrier barrier_id(%barrier3A_20)
    %mul3A_21 = arith.constant 640 : i32
    %mul3A_22 = arith.muli %arg1, %mul3A_21 : i32
    %mul3A_23 = arith.constant 640 : i32
    %mul3A_24 = arith.muli %arg1, %mul3A_23 : i32
    "tpu.region"() ({
      %run_scoped3A = tpu.sem_alloc : memref<!tpu.dma_semaphore, #tpu.memory_space<semaphore_mem>>
      %dma_start3A = arith.constant 0 : i32
      %dma_start3A_25 = tpu.memref_slice %arg6[%arg0, %mul3A_24, %dma_start3A] : memref<2x10240x128xf32, #tpu.memory_space<hbm>> -> memref<1x640x128xf32, #tpu.memory_space<hbm>>
      %dma_start3A_26 = tpu.memref_squeeze %dma_start3A_25 : memref<1x640x128xf32, #tpu.memory_space<hbm>> -> memref<640x128xf32, #tpu.memory_space<hbm>>
      %dma_start3A_27 = arith.constant 0 : i32
      %dma_start3A_28 = tpu.memref_slice %arg10[%mul3A_22, %dma_start3A_27] : memref<10240x128xf32, #tpu.memory_space<vmem_shared>> -> memref<640x128xf32, #tpu.memory_space<vmem_shared>>
      tpu.enqueue_dma source(%dma_start3A_28 : memref<640x128xf32, #tpu.memory_space<vmem_shared>>) target(%dma_start3A_26 : memref<640x128xf32, #tpu.memory_space<hbm>>) target_semaphore(%run_scoped3A : memref<!tpu.dma_semaphore, #tpu.memory_space<semaphore_mem>>)
      %dma_wait3A = arith.constant 0 : i32
      %dma_wait3A_29 = tpu.memref_slice %arg6[%arg0, %mul3A_24, %dma_wait3A] : memref<2x10240x128xf32, #tpu.memory_space<hbm>> -> memref<1x640x128xf32, #tpu.memory_space<hbm>>
      %dma_wait3A_30 = tpu.memref_squeeze %dma_wait3A_29 : memref<1x640x128xf32, #tpu.memory_space<hbm>> -> memref<640x128xf32, #tpu.memory_space<hbm>>
      %dma_wait3A_31 = arith.constant 0 : i32
      %dma_wait3A_32 = tpu.memref_slice %arg10[%mul3A_22, %dma_wait3A_31] : memref<10240x128xf32, #tpu.memory_space<vmem_shared>> -> memref<640x128xf32, #tpu.memory_space<vmem_shared>>
      tpu.wait_dma2 semaphore(%run_scoped3A : memref<!tpu.dma_semaphore, #tpu.memory_space<semaphore_mem>>) src(%dma_wait3A_32 : memref<640x128xf32, #tpu.memory_space<vmem_shared>>) dst(%dma_wait3A_30 : memref<640x128xf32, #tpu.memory_space<hbm>>)
      tpu.yield
    }) : () -> ()
    return
  }
}

#map = affine_map<(d0, d1) -> (0, 0)>
#map1 = affine_map<(d0, d1) -> (0, 0, 0)>
module attributes {stable_mosaic.version = 14 : i64} {
  func.func @_agg_body(%arg0: i32, %arg1: i32, %arg2: memref<2560x128xi32, #tpu.memory_space<hbm>>, %arg3: memref<2560x128xi32, #tpu.memory_space<hbm>>, %arg4: memref<10240x128xf32, #tpu.memory_space<hbm>>, %arg5: memref<640x128xf32, #tpu.memory_space<hbm>>, %arg6: memref<2x10240x128xf32, #tpu.memory_space<hbm>>, %arg7: memref<120x128xi32, #tpu.memory_space<vmem>>, %arg8: memref<120x128xi32, #tpu.memory_space<vmem>>, %arg9: memref<128x128xf32, #tpu.memory_space<vmem>>, %arg10: memref<10240x128xf32, #tpu.memory_space<vmem_shared>>, %arg11: memref<!tpu.dma_semaphore, #tpu.memory_space<semaphore_mem>>) attributes {dimension_semantics = [#tpu.dimension_semantics<core_parallel>, #tpu.dimension_semantics<subcore_parallel>], iteration_bounds = array<i64: 2, 16>, scalar_prefetch = 0 : i64, scratch_operands = 5 : i64, tpu.core_type = #tpu.core_type<sc_vector_subcore>, window_params = [{transform_indices = #map}, {transform_indices = #map}, {transform_indices = #map}, {transform_indices = #map}, {transform_indices = #map1}]} {
    %mul3A = arith.constant 640 : i32
    %mul3A_0 = arith.muli %arg1, %mul3A : i32
    "tpu.region"() ({
      %run_scoped3A = tpu.sem_alloc : memref<!tpu.dma_semaphore, #tpu.memory_space<semaphore_mem>>
      %dma_start3A = arith.constant 0 : i32
      %dma_start3A_25 = tpu.memref_slice %arg10[%mul3A_0, %dma_start3A] : memref<10240x128xf32, #tpu.memory_space<vmem_shared>> -> memref<640x128xf32, #tpu.memory_space<vmem_shared>>
      tpu.enqueue_dma source(%arg5 : memref<640x128xf32, #tpu.memory_space<hbm>>) target(%dma_start3A_25 : memref<640x128xf32, #tpu.memory_space<vmem_shared>>) target_semaphore(%run_scoped3A : memref<!tpu.dma_semaphore, #tpu.memory_space<semaphore_mem>>)
      %dma_wait3A = arith.constant 0 : i32
      %dma_wait3A_26 = tpu.memref_slice %arg10[%mul3A_0, %dma_wait3A] : memref<10240x128xf32, #tpu.memory_space<vmem_shared>> -> memref<640x128xf32, #tpu.memory_space<vmem_shared>>
      tpu.wait_dma2 semaphore(%run_scoped3A : memref<!tpu.dma_semaphore, #tpu.memory_space<semaphore_mem>>) src(%arg5 : memref<640x128xf32, #tpu.memory_space<hbm>>) dst(%dma_wait3A_26 : memref<640x128xf32, #tpu.memory_space<vmem_shared>>)
      tpu.yield
    }) : () -> ()
    %eq3A = arith.constant 0 : i32
    %eq3A_1 = arith.cmpi eq, %arg0, %eq3A : i32
    %convert_element_type3A = arith.extui %eq3A_1 : i1 to i32
    %cond3A = arith.constant 0 : i32
    %cond3A_2 = arith.cmpi ne, %convert_element_type3A, %cond3A : i32
    scf.if %cond3A_2 {
      %mul3A_25 = arith.constant 120 : i32
      %mul3A_26 = arith.muli %arg1, %mul3A_25 : i32
      "tpu.region"() ({
        %run_scoped3A = tpu.sem_alloc : memref<!tpu.dma_semaphore, #tpu.memory_space<semaphore_mem>>
        %dma_start3A = arith.constant 0 : i32
        %dma_start3A_29 = arith.constant 0 : i32
        %dma_start3A_30 = tpu.memref_slice %arg7[%dma_start3A, %dma_start3A_29] : memref<120x128xi32, #tpu.memory_space<vmem>> -> memref<120x128xi32, #tpu.memory_space<vmem>>
        %dma_start3A_31 = arith.constant 0 : i32
        %dma_start3A_32 = tpu.memref_slice %arg2[%mul3A_26, %dma_start3A_31] : memref<2560x128xi32, #tpu.memory_space<hbm>> -> memref<120x128xi32, #tpu.memory_space<hbm>>
        %dma_start3A_33 = arith.constant 0 : i32
        %dma_start3A_34 = arith.constant 0 : i32
        %dma_start3A_35 = tpu.memref_slice %arg7[%dma_start3A_33, %dma_start3A_34] : memref<120x128xi32, #tpu.memory_space<vmem>> -> memref<120x128xi32, #tpu.memory_space<vmem>>
        %dma_start3A_36 = arith.constant 0 : i32
        %dma_start3A_37 = tpu.memref_slice %arg2[%mul3A_26, %dma_start3A_36] : memref<2560x128xi32, #tpu.memory_space<hbm>> -> memref<120x128xi32, #tpu.memory_space<hbm>>
        tpu.enqueue_dma source(%dma_start3A_37 : memref<120x128xi32, #tpu.memory_space<hbm>>) target(%dma_start3A_35 : memref<120x128xi32, #tpu.memory_space<vmem>>) target_semaphore(%run_scoped3A : memref<!tpu.dma_semaphore, #tpu.memory_space<semaphore_mem>>)
        %dma_wait3A = arith.constant 0 : i32
        %dma_wait3A_38 = arith.constant 0 : i32
        %dma_wait3A_39 = tpu.memref_slice %arg7[%dma_wait3A, %dma_wait3A_38] : memref<120x128xi32, #tpu.memory_space<vmem>> -> memref<120x128xi32, #tpu.memory_space<vmem>>
        %dma_wait3A_40 = arith.constant 0 : i32
        %dma_wait3A_41 = tpu.memref_slice %arg2[%mul3A_26, %dma_wait3A_40] : memref<2560x128xi32, #tpu.memory_space<hbm>> -> memref<120x128xi32, #tpu.memory_space<hbm>>
        %dma_wait3A_42 = arith.constant 0 : i32
        %dma_wait3A_43 = arith.constant 0 : i32
        %dma_wait3A_44 = tpu.memref_slice %arg7[%dma_wait3A_42, %dma_wait3A_43] : memref<120x128xi32, #tpu.memory_space<vmem>> -> memref<120x128xi32, #tpu.memory_space<vmem>>
        %dma_wait3A_45 = arith.constant 0 : i32
        %dma_wait3A_46 = tpu.memref_slice %arg2[%mul3A_26, %dma_wait3A_45] : memref<2560x128xi32, #tpu.memory_space<hbm>> -> memref<120x128xi32, #tpu.memory_space<hbm>>
        tpu.wait_dma2 semaphore(%run_scoped3A : memref<!tpu.dma_semaphore, #tpu.memory_space<semaphore_mem>>) src(%dma_wait3A_46 : memref<120x128xi32, #tpu.memory_space<hbm>>) dst(%dma_wait3A_44 : memref<120x128xi32, #tpu.memory_space<vmem>>)
        tpu.yield
      }) : () -> ()
      %mul3A_27 = arith.constant 120 : i32
      %mul3A_28 = arith.muli %arg1, %mul3A_27 : i32
      "tpu.region"() ({
        %run_scoped3A = tpu.sem_alloc : memref<!tpu.dma_semaphore, #tpu.memory_space<semaphore_mem>>
        %dma_start3A = arith.constant 0 : i32
        %dma_start3A_29 = arith.constant 0 : i32
        %dma_start3A_30 = tpu.memref_slice %arg8[%dma_start3A, %dma_start3A_29] : memref<120x128xi32, #tpu.memory_space<vmem>> -> memref<120x128xi32, #tpu.memory_space<vmem>>
        %dma_start3A_31 = arith.constant 0 : i32
        %dma_start3A_32 = tpu.memref_slice %arg3[%mul3A_28, %dma_start3A_31] : memref<2560x128xi32, #tpu.memory_space<hbm>> -> memref<120x128xi32, #tpu.memory_space<hbm>>
        %dma_start3A_33 = arith.constant 0 : i32
        %dma_start3A_34 = arith.constant 0 : i32
        %dma_start3A_35 = tpu.memref_slice %arg8[%dma_start3A_33, %dma_start3A_34] : memref<120x128xi32, #tpu.memory_space<vmem>> -> memref<120x128xi32, #tpu.memory_space<vmem>>
        %dma_start3A_36 = arith.constant 0 : i32
        %dma_start3A_37 = tpu.memref_slice %arg3[%mul3A_28, %dma_start3A_36] : memref<2560x128xi32, #tpu.memory_space<hbm>> -> memref<120x128xi32, #tpu.memory_space<hbm>>
        tpu.enqueue_dma source(%dma_start3A_37 : memref<120x128xi32, #tpu.memory_space<hbm>>) target(%dma_start3A_35 : memref<120x128xi32, #tpu.memory_space<vmem>>) target_semaphore(%run_scoped3A : memref<!tpu.dma_semaphore, #tpu.memory_space<semaphore_mem>>)
        %dma_wait3A = arith.constant 0 : i32
        %dma_wait3A_38 = arith.constant 0 : i32
        %dma_wait3A_39 = tpu.memref_slice %arg8[%dma_wait3A, %dma_wait3A_38] : memref<120x128xi32, #tpu.memory_space<vmem>> -> memref<120x128xi32, #tpu.memory_space<vmem>>
        %dma_wait3A_40 = arith.constant 0 : i32
        %dma_wait3A_41 = tpu.memref_slice %arg3[%mul3A_28, %dma_wait3A_40] : memref<2560x128xi32, #tpu.memory_space<hbm>> -> memref<120x128xi32, #tpu.memory_space<hbm>>
        %dma_wait3A_42 = arith.constant 0 : i32
        %dma_wait3A_43 = arith.constant 0 : i32
        %dma_wait3A_44 = tpu.memref_slice %arg8[%dma_wait3A_42, %dma_wait3A_43] : memref<120x128xi32, #tpu.memory_space<vmem>> -> memref<120x128xi32, #tpu.memory_space<vmem>>
        %dma_wait3A_45 = arith.constant 0 : i32
        %dma_wait3A_46 = tpu.memref_slice %arg3[%mul3A_28, %dma_wait3A_45] : memref<2560x128xi32, #tpu.memory_space<hbm>> -> memref<120x128xi32, #tpu.memory_space<hbm>>
        tpu.wait_dma2 semaphore(%run_scoped3A : memref<!tpu.dma_semaphore, #tpu.memory_space<semaphore_mem>>) src(%dma_wait3A_46 : memref<120x128xi32, #tpu.memory_space<hbm>>) dst(%dma_wait3A_44 : memref<120x128xi32, #tpu.memory_space<vmem>>)
        tpu.yield
      }) : () -> ()
    } else {
    }
    %eq3A_3 = arith.constant 1 : i32
    %eq3A_4 = arith.cmpi eq, %arg0, %eq3A_3 : i32
    %convert_element_type3A_5 = arith.extui %eq3A_4 : i1 to i32
    %cond3A_6 = arith.constant 0 : i32
    %cond3A_7 = arith.cmpi ne, %convert_element_type3A_5, %cond3A_6 : i32
    scf.if %cond3A_7 {
      %mul3A_25 = arith.constant 40 : i32
      %mul3A_26 = arith.muli %arg1, %mul3A_25 : i32
      %add3A = arith.constant 1920 : i32
      %add3A_27 = arith.addi %add3A, %mul3A_26 : i32
      "tpu.region"() ({
        %run_scoped3A = tpu.sem_alloc : memref<!tpu.dma_semaphore, #tpu.memory_space<semaphore_mem>>
        %dma_start3A = arith.constant 0 : i32
        %dma_start3A_32 = arith.constant 0 : i32
        %dma_start3A_33 = tpu.memref_slice %arg7[%dma_start3A, %dma_start3A_32] : memref<120x128xi32, #tpu.memory_space<vmem>> -> memref<40x128xi32, #tpu.memory_space<vmem>>
        %dma_start3A_34 = arith.constant 0 : i32
        %dma_start3A_35 = tpu.memref_slice %arg2[%add3A_27, %dma_start3A_34] : memref<2560x128xi32, #tpu.memory_space<hbm>> -> memref<40x128xi32, #tpu.memory_space<hbm>>
        %dma_start3A_36 = arith.constant 0 : i32
        %dma_start3A_37 = arith.constant 0 : i32
        %dma_start3A_38 = tpu.memref_slice %arg7[%dma_start3A_36, %dma_start3A_37] : memref<120x128xi32, #tpu.memory_space<vmem>> -> memref<40x128xi32, #tpu.memory_space<vmem>>
        %dma_start3A_39 = arith.constant 0 : i32
        %dma_start3A_40 = tpu.memref_slice %arg2[%add3A_27, %dma_start3A_39] : memref<2560x128xi32, #tpu.memory_space<hbm>> -> memref<40x128xi32, #tpu.memory_space<hbm>>
        tpu.enqueue_dma source(%dma_start3A_40 : memref<40x128xi32, #tpu.memory_space<hbm>>) target(%dma_start3A_38 : memref<40x128xi32, #tpu.memory_space<vmem>>) target_semaphore(%run_scoped3A : memref<!tpu.dma_semaphore, #tpu.memory_space<semaphore_mem>>)
        %dma_wait3A = arith.constant 0 : i32
        %dma_wait3A_41 = arith.constant 0 : i32
        %dma_wait3A_42 = tpu.memref_slice %arg7[%dma_wait3A, %dma_wait3A_41] : memref<120x128xi32, #tpu.memory_space<vmem>> -> memref<40x128xi32, #tpu.memory_space<vmem>>
        %dma_wait3A_43 = arith.constant 0 : i32
        %dma_wait3A_44 = tpu.memref_slice %arg2[%add3A_27, %dma_wait3A_43] : memref<2560x128xi32, #tpu.memory_space<hbm>> -> memref<40x128xi32, #tpu.memory_space<hbm>>
        %dma_wait3A_45 = arith.constant 0 : i32
        %dma_wait3A_46 = arith.constant 0 : i32
        %dma_wait3A_47 = tpu.memref_slice %arg7[%dma_wait3A_45, %dma_wait3A_46] : memref<120x128xi32, #tpu.memory_space<vmem>> -> memref<40x128xi32, #tpu.memory_space<vmem>>
        %dma_wait3A_48 = arith.constant 0 : i32
        %dma_wait3A_49 = tpu.memref_slice %arg2[%add3A_27, %dma_wait3A_48] : memref<2560x128xi32, #tpu.memory_space<hbm>> -> memref<40x128xi32, #tpu.memory_space<hbm>>
        tpu.wait_dma2 semaphore(%run_scoped3A : memref<!tpu.dma_semaphore, #tpu.memory_space<semaphore_mem>>) src(%dma_wait3A_49 : memref<40x128xi32, #tpu.memory_space<hbm>>) dst(%dma_wait3A_47 : memref<40x128xi32, #tpu.memory_space<vmem>>)
        tpu.yield
      }) : () -> ()
      %mul3A_28 = arith.constant 40 : i32
      %mul3A_29 = arith.muli %arg1, %mul3A_28 : i32
      %add3A_30 = arith.constant 1920 : i32
      %add3A_31 = arith.addi %add3A_30, %mul3A_29 : i32
      "tpu.region"() ({
        %run_scoped3A = tpu.sem_alloc : memref<!tpu.dma_semaphore, #tpu.memory_space<semaphore_mem>>
        %dma_start3A = arith.constant 0 : i32
        %dma_start3A_32 = arith.constant 0 : i32
        %dma_start3A_33 = tpu.memref_slice %arg8[%dma_start3A, %dma_start3A_32] : memref<120x128xi32, #tpu.memory_space<vmem>> -> memref<40x128xi32, #tpu.memory_space<vmem>>
        %dma_start3A_34 = arith.constant 0 : i32
        %dma_start3A_35 = tpu.memref_slice %arg3[%add3A_31, %dma_start3A_34] : memref<2560x128xi32, #tpu.memory_space<hbm>> -> memref<40x128xi32, #tpu.memory_space<hbm>>
        %dma_start3A_36 = arith.constant 0 : i32
        %dma_start3A_37 = arith.constant 0 : i32
        %dma_start3A_38 = tpu.memref_slice %arg8[%dma_start3A_36, %dma_start3A_37] : memref<120x128xi32, #tpu.memory_space<vmem>> -> memref<40x128xi32, #tpu.memory_space<vmem>>
        %dma_start3A_39 = arith.constant 0 : i32
        %dma_start3A_40 = tpu.memref_slice %arg3[%add3A_31, %dma_start3A_39] : memref<2560x128xi32, #tpu.memory_space<hbm>> -> memref<40x128xi32, #tpu.memory_space<hbm>>
        tpu.enqueue_dma source(%dma_start3A_40 : memref<40x128xi32, #tpu.memory_space<hbm>>) target(%dma_start3A_38 : memref<40x128xi32, #tpu.memory_space<vmem>>) target_semaphore(%run_scoped3A : memref<!tpu.dma_semaphore, #tpu.memory_space<semaphore_mem>>)
        %dma_wait3A = arith.constant 0 : i32
        %dma_wait3A_41 = arith.constant 0 : i32
        %dma_wait3A_42 = tpu.memref_slice %arg8[%dma_wait3A, %dma_wait3A_41] : memref<120x128xi32, #tpu.memory_space<vmem>> -> memref<40x128xi32, #tpu.memory_space<vmem>>
        %dma_wait3A_43 = arith.constant 0 : i32
        %dma_wait3A_44 = tpu.memref_slice %arg3[%add3A_31, %dma_wait3A_43] : memref<2560x128xi32, #tpu.memory_space<hbm>> -> memref<40x128xi32, #tpu.memory_space<hbm>>
        %dma_wait3A_45 = arith.constant 0 : i32
        %dma_wait3A_46 = arith.constant 0 : i32
        %dma_wait3A_47 = tpu.memref_slice %arg8[%dma_wait3A_45, %dma_wait3A_46] : memref<120x128xi32, #tpu.memory_space<vmem>> -> memref<40x128xi32, #tpu.memory_space<vmem>>
        %dma_wait3A_48 = arith.constant 0 : i32
        %dma_wait3A_49 = tpu.memref_slice %arg3[%add3A_31, %dma_wait3A_48] : memref<2560x128xi32, #tpu.memory_space<hbm>> -> memref<40x128xi32, #tpu.memory_space<hbm>>
        tpu.wait_dma2 semaphore(%run_scoped3A : memref<!tpu.dma_semaphore, #tpu.memory_space<semaphore_mem>>) src(%dma_wait3A_49 : memref<40x128xi32, #tpu.memory_space<hbm>>) dst(%dma_wait3A_47 : memref<40x128xi32, #tpu.memory_space<vmem>>)
        tpu.yield
      }) : () -> ()
    } else {
    }
    %barrier3A = arith.constant 0 : index
    tpu.barrier barrier_id(%barrier3A)
    %eq3A_8 = arith.constant 0 : i32
    %eq3A_9 = arith.cmpi eq, %arg0, %eq3A_8 : i32
    %jit3A = arith.constant 120 : i32
    %jit3A_10 = arith.constant 40 : i32
    %select_n3A = arith.select %eq3A_9, %jit3A, %jit3A_10 : i32
    %while3A = arith.constant 0 : i32
    %while3A_11 = arith.constant 0 : i32
    %while3A_12 = arith.subi %select_n3A, %while3A_11 : i32
    %while3A_13 = arith.addi %while3A_11, %while3A_12 : i32
    %while3A_14 = arith.constant 1 : i32
    %while3A_15 = arith.divsi %while3A_12, %while3A_14 : i32
    %while3A_16 = arith.muli %while3A_15, %while3A_14 : i32
    %while3A_17 = arith.addi %while3A_11, %while3A_16 : i32
    %while3A_18 = arith.constant 1 : i32
    scf.for %while3A_25 = %while3A_11 to %while3A_17 step %while3A_18  : i32 {
      %dma_start3A = arith.constant 0 : i32
      %dma_start3A_26 = tpu.memref_slice %arg7[%while3A_25, %dma_start3A] : memref<120x128xi32, #tpu.memory_space<vmem>> -> memref<1x128xi32, #tpu.memory_space<vmem>>
      %dma_start3A_27 = tpu.memref_squeeze %dma_start3A_26 : memref<1x128xi32, #tpu.memory_space<vmem>> -> memref<128xi32, #tpu.memory_space<vmem>>
      %dma_start3A_28 = arith.constant 0 : i32
      %dma_start3A_29 = arith.constant 0 : i32
      %dma_start3A_30 = tpu.memref_slice %arg4[%dma_start3A_28, %dma_start3A_29] : memref<10240x128xf32, #tpu.memory_space<hbm>> -> memref<10240x128xf32, #tpu.memory_space<hbm>>
      tpu.enqueue_indirect_dma source(%dma_start3A_30 : memref<10240x128xf32, #tpu.memory_space<hbm>>) target(%arg9 : memref<128x128xf32, #tpu.memory_space<vmem>>) offsets(%dma_start3A_27 : memref<128xi32, #tpu.memory_space<vmem>>) semaphore(%arg11 : memref<!tpu.dma_semaphore, #tpu.memory_space<semaphore_mem>>)
      %dma_wait3A = arith.constant 0 : i32
      %dma_wait3A_31 = tpu.memref_slice %arg7[%while3A_25, %dma_wait3A] : memref<120x128xi32, #tpu.memory_space<vmem>> -> memref<1x128xi32, #tpu.memory_space<vmem>>
      %dma_wait3A_32 = tpu.memref_squeeze %dma_wait3A_31 : memref<1x128xi32, #tpu.memory_space<vmem>> -> memref<128xi32, #tpu.memory_space<vmem>>
      %dma_wait3A_33 = arith.constant 0 : i32
      %dma_wait3A_34 = arith.constant 0 : i32
      %dma_wait3A_35 = tpu.memref_slice %arg4[%dma_wait3A_33, %dma_wait3A_34] : memref<10240x128xf32, #tpu.memory_space<hbm>> -> memref<10240x128xf32, #tpu.memory_space<hbm>>
      tpu.wait_indirect_dma semaphore(%arg11 : memref<!tpu.dma_semaphore, #tpu.memory_space<semaphore_mem>>) src(%dma_wait3A_35 : memref<10240x128xf32, #tpu.memory_space<hbm>>) dst(%arg9 : memref<128x128xf32, #tpu.memory_space<vmem>>)
      "tpu.region"() ({
        %run_scoped3A = tpu.sem_alloc : memref<!tpu.dma_semaphore, #tpu.memory_space<semaphore_mem>>
        %dma_start3A_36 = arith.constant 0 : i32
        %dma_start3A_37 = tpu.memref_slice %arg8[%while3A_25, %dma_start3A_36] : memref<120x128xi32, #tpu.memory_space<vmem>> -> memref<1x128xi32, #tpu.memory_space<vmem>>
        %dma_start3A_38 = tpu.memref_squeeze %dma_start3A_37 : memref<1x128xi32, #tpu.memory_space<vmem>> -> memref<128xi32, #tpu.memory_space<vmem>>
        %dma_start3A_39 = arith.constant 0 : i32
        %dma_start3A_40 = arith.constant 0 : i32
        %dma_start3A_41 = tpu.memref_slice %arg10[%dma_start3A_39, %dma_start3A_40] : memref<10240x128xf32, #tpu.memory_space<vmem_shared>> -> memref<10240x128xf32, #tpu.memory_space<vmem_shared>>
        tpu.enqueue_indirect_dma source(%arg9 : memref<128x128xf32, #tpu.memory_space<vmem>>) target(%dma_start3A_41 : memref<10240x128xf32, #tpu.memory_space<vmem_shared>>) offsets(%dma_start3A_38 : memref<128xi32, #tpu.memory_space<vmem>>) semaphore(%run_scoped3A : memref<!tpu.dma_semaphore, #tpu.memory_space<semaphore_mem>>) {add = true}
        %dma_wait3A_42 = arith.constant 0 : i32
        %dma_wait3A_43 = tpu.memref_slice %arg8[%while3A_25, %dma_wait3A_42] : memref<120x128xi32, #tpu.memory_space<vmem>> -> memref<1x128xi32, #tpu.memory_space<vmem>>
        %dma_wait3A_44 = tpu.memref_squeeze %dma_wait3A_43 : memref<1x128xi32, #tpu.memory_space<vmem>> -> memref<128xi32, #tpu.memory_space<vmem>>
        %dma_wait3A_45 = arith.constant 0 : i32
        %dma_wait3A_46 = arith.constant 0 : i32
        %dma_wait3A_47 = tpu.memref_slice %arg10[%dma_wait3A_45, %dma_wait3A_46] : memref<10240x128xf32, #tpu.memory_space<vmem_shared>> -> memref<10240x128xf32, #tpu.memory_space<vmem_shared>>
        tpu.wait_indirect_dma semaphore(%run_scoped3A : memref<!tpu.dma_semaphore, #tpu.memory_space<semaphore_mem>>) src(%arg9 : memref<128x128xf32, #tpu.memory_space<vmem>>) dst(%dma_wait3A_47 : memref<10240x128xf32, #tpu.memory_space<vmem_shared>>)
        tpu.yield
      }) : () -> ()
    }
    %while3A_19 = arith.constant 1 : i32
    scf.for %while3A_25 = %while3A_17 to %while3A_13 step %while3A_19  : i32 {
      %dma_start3A = arith.constant 0 : i32
      %dma_start3A_26 = tpu.memref_slice %arg7[%while3A_25, %dma_start3A] : memref<120x128xi32, #tpu.memory_space<vmem>> -> memref<1x128xi32, #tpu.memory_space<vmem>>
      %dma_start3A_27 = tpu.memref_squeeze %dma_start3A_26 : memref<1x128xi32, #tpu.memory_space<vmem>> -> memref<128xi32, #tpu.memory_space<vmem>>
      %dma_start3A_28 = arith.constant 0 : i32
      %dma_start3A_29 = arith.constant 0 : i32
      %dma_start3A_30 = tpu.memref_slice %arg4[%dma_start3A_28, %dma_start3A_29] : memref<10240x128xf32, #tpu.memory_space<hbm>> -> memref<10240x128xf32, #tpu.memory_space<hbm>>
      tpu.enqueue_indirect_dma source(%dma_start3A_30 : memref<10240x128xf32, #tpu.memory_space<hbm>>) target(%arg9 : memref<128x128xf32, #tpu.memory_space<vmem>>) offsets(%dma_start3A_27 : memref<128xi32, #tpu.memory_space<vmem>>) semaphore(%arg11 : memref<!tpu.dma_semaphore, #tpu.memory_space<semaphore_mem>>)
      %dma_wait3A = arith.constant 0 : i32
      %dma_wait3A_31 = tpu.memref_slice %arg7[%while3A_25, %dma_wait3A] : memref<120x128xi32, #tpu.memory_space<vmem>> -> memref<1x128xi32, #tpu.memory_space<vmem>>
      %dma_wait3A_32 = tpu.memref_squeeze %dma_wait3A_31 : memref<1x128xi32, #tpu.memory_space<vmem>> -> memref<128xi32, #tpu.memory_space<vmem>>
      %dma_wait3A_33 = arith.constant 0 : i32
      %dma_wait3A_34 = arith.constant 0 : i32
      %dma_wait3A_35 = tpu.memref_slice %arg4[%dma_wait3A_33, %dma_wait3A_34] : memref<10240x128xf32, #tpu.memory_space<hbm>> -> memref<10240x128xf32, #tpu.memory_space<hbm>>
      tpu.wait_indirect_dma semaphore(%arg11 : memref<!tpu.dma_semaphore, #tpu.memory_space<semaphore_mem>>) src(%dma_wait3A_35 : memref<10240x128xf32, #tpu.memory_space<hbm>>) dst(%arg9 : memref<128x128xf32, #tpu.memory_space<vmem>>)
      "tpu.region"() ({
        %run_scoped3A = tpu.sem_alloc : memref<!tpu.dma_semaphore, #tpu.memory_space<semaphore_mem>>
        %dma_start3A_36 = arith.constant 0 : i32
        %dma_start3A_37 = tpu.memref_slice %arg8[%while3A_25, %dma_start3A_36] : memref<120x128xi32, #tpu.memory_space<vmem>> -> memref<1x128xi32, #tpu.memory_space<vmem>>
        %dma_start3A_38 = tpu.memref_squeeze %dma_start3A_37 : memref<1x128xi32, #tpu.memory_space<vmem>> -> memref<128xi32, #tpu.memory_space<vmem>>
        %dma_start3A_39 = arith.constant 0 : i32
        %dma_start3A_40 = arith.constant 0 : i32
        %dma_start3A_41 = tpu.memref_slice %arg10[%dma_start3A_39, %dma_start3A_40] : memref<10240x128xf32, #tpu.memory_space<vmem_shared>> -> memref<10240x128xf32, #tpu.memory_space<vmem_shared>>
        tpu.enqueue_indirect_dma source(%arg9 : memref<128x128xf32, #tpu.memory_space<vmem>>) target(%dma_start3A_41 : memref<10240x128xf32, #tpu.memory_space<vmem_shared>>) offsets(%dma_start3A_38 : memref<128xi32, #tpu.memory_space<vmem>>) semaphore(%run_scoped3A : memref<!tpu.dma_semaphore, #tpu.memory_space<semaphore_mem>>) {add = true}
        %dma_wait3A_42 = arith.constant 0 : i32
        %dma_wait3A_43 = tpu.memref_slice %arg8[%while3A_25, %dma_wait3A_42] : memref<120x128xi32, #tpu.memory_space<vmem>> -> memref<1x128xi32, #tpu.memory_space<vmem>>
        %dma_wait3A_44 = tpu.memref_squeeze %dma_wait3A_43 : memref<1x128xi32, #tpu.memory_space<vmem>> -> memref<128xi32, #tpu.memory_space<vmem>>
        %dma_wait3A_45 = arith.constant 0 : i32
        %dma_wait3A_46 = arith.constant 0 : i32
        %dma_wait3A_47 = tpu.memref_slice %arg10[%dma_wait3A_45, %dma_wait3A_46] : memref<10240x128xf32, #tpu.memory_space<vmem_shared>> -> memref<10240x128xf32, #tpu.memory_space<vmem_shared>>
        tpu.wait_indirect_dma semaphore(%run_scoped3A : memref<!tpu.dma_semaphore, #tpu.memory_space<semaphore_mem>>) src(%arg9 : memref<128x128xf32, #tpu.memory_space<vmem>>) dst(%dma_wait3A_47 : memref<10240x128xf32, #tpu.memory_space<vmem_shared>>)
        tpu.yield
      }) : () -> ()
    }
    %barrier3A_20 = arith.constant 0 : index
    tpu.barrier barrier_id(%barrier3A_20)
    %mul3A_21 = arith.constant 640 : i32
    %mul3A_22 = arith.muli %arg1, %mul3A_21 : i32
    %mul3A_23 = arith.constant 640 : i32
    %mul3A_24 = arith.muli %arg1, %mul3A_23 : i32
    "tpu.region"() ({
      %run_scoped3A = tpu.sem_alloc : memref<!tpu.dma_semaphore, #tpu.memory_space<semaphore_mem>>
      %dma_start3A = arith.constant 0 : i32
      %dma_start3A_25 = tpu.memref_slice %arg6[%arg0, %mul3A_24, %dma_start3A] : memref<2x10240x128xf32, #tpu.memory_space<hbm>> -> memref<1x640x128xf32, #tpu.memory_space<hbm>>
      %dma_start3A_26 = tpu.memref_squeeze %dma_start3A_25 : memref<1x640x128xf32, #tpu.memory_space<hbm>> -> memref<640x128xf32, #tpu.memory_space<hbm>>
      %dma_start3A_27 = arith.constant 0 : i32
      %dma_start3A_28 = tpu.memref_slice %arg10[%mul3A_22, %dma_start3A_27] : memref<10240x128xf32, #tpu.memory_space<vmem_shared>> -> memref<640x128xf32, #tpu.memory_space<vmem_shared>>
      tpu.enqueue_dma source(%dma_start3A_28 : memref<640x128xf32, #tpu.memory_space<vmem_shared>>) target(%dma_start3A_26 : memref<640x128xf32, #tpu.memory_space<hbm>>) target_semaphore(%run_scoped3A : memref<!tpu.dma_semaphore, #tpu.memory_space<semaphore_mem>>)
      %dma_wait3A = arith.constant 0 : i32
      %dma_wait3A_29 = tpu.memref_slice %arg6[%arg0, %mul3A_24, %dma_wait3A] : memref<2x10240x128xf32, #tpu.memory_space<hbm>> -> memref<1x640x128xf32, #tpu.memory_space<hbm>>
      %dma_wait3A_30 = tpu.memref_squeeze %dma_wait3A_29 : memref<1x640x128xf32, #tpu.memory_space<hbm>> -> memref<640x128xf32, #tpu.memory_space<hbm>>
      %dma_wait3A_31 = arith.constant 0 : i32
      %dma_wait3A_32 = tpu.memref_slice %arg10[%mul3A_22, %dma_wait3A_31] : memref<10240x128xf32, #tpu.memory_space<vmem_shared>> -> memref<640x128xf32, #tpu.memory_space<vmem_shared>>
      tpu.wait_dma2 semaphore(%run_scoped3A : memref<!tpu.dma_semaphore, #tpu.memory_space<semaphore_mem>>) src(%dma_wait3A_32 : memref<640x128xf32, #tpu.memory_space<vmem_shared>>) dst(%dma_wait3A_30 : memref<640x128xf32, #tpu.memory_space<hbm>>)
      tpu.yield
    }) : () -> ()
    return
  }
}

module attributes {stable_mosaic.version = 14 : i64} {
  func.func @_mm_body(%arg0: i32, %arg1: memref<1000x128xf32, #tpu.memory_space<vmem>>, %arg2: memref<128x128xf32, #tpu.memory_space<vmem>>, %arg3: memref<1000x128xf32, #tpu.memory_space<vmem>>) attributes {dimension_semantics = [#tpu.dimension_semantics<arbitrary>], iteration_bounds = array<i64: 10>, scalar_prefetch = 0 : i64, scratch_operands = 0 : i64, tpu.core_type = #tpu.core_type<tc>, window_params = [{transform_indices = @transform_0, window_bounds = array<i64: 1000, 128>}, {pipeline_mode = #tpu.pipeline_mode<synchronous>, transform_indices = @transform_1, window_bounds = array<i64: 128, 128>}, {transform_indices = @transform_2, window_bounds = array<i64: 1000, 128>}]} {
    %get3A = arith.constant 0 : index
    %get3A_0 = arith.constant 0 : index
    %get3A_1 = vector.load %arg1[%get3A, %get3A_0] : memref<1000x128xf32, #tpu.memory_space<vmem>>, vector<1000x128xf32>
    %get3A_2 = arith.constant 0 : index
    %get3A_3 = arith.constant 0 : index
    %get3A_4 = vector.load %arg2[%get3A_2, %get3A_3] : memref<128x128xf32, #tpu.memory_space<vmem>>, vector<128x128xf32>
    %dot_general3A = arith.constant dense<0.000000e+00> : vector<1000x128xf32>
    %dot_general3A_5 = tpu.matmul %get3A_1, %get3A_4, %dot_general3A {dimension_numbers = #tpu.dot_dimension_numbers<[1], [0], [0], [1], [0, 0, 1, 1], [], []>, precision = #tpu.contract_precision<fp32>, transpose_lhs_hint = false} : vector<1000x128xf32>, vector<128x128xf32>, vector<1000x128xf32> -> vector<1000x128xf32>
    %swap3A = arith.constant 0 : index
    %swap3A_6 = arith.constant 0 : index
    %swap3A_7 = vector.load %arg3[%swap3A, %swap3A_6] : memref<1000x128xf32, #tpu.memory_space<vmem>>, vector<1000x128xf32>
    tpu.vector_store %arg3[%swap3A, %swap3A_6], %dot_general3A_5 {strides = array<i32>} : memref<1000x128xf32, #tpu.memory_space<vmem>>, vector<1000x128xf32>,
    return
  }
  func.func @transform_0(%arg0: i32) -> (i32, i32) {
    %c0_i32 = arith.constant 0 : i32
    %c0_i32_0 = arith.constant 0 : i32
    return %arg0, %c0_i32 : i32, i32
  }
  func.func @transform_1(%arg0: i32) -> (i32, i32) {
    %c0_i32 = arith.constant 0 : i32
    %c0_i32_0 = arith.constant 0 : i32
    %c0_i32_1 = arith.constant 0 : i32
    return %c0_i32, %c0_i32_0 : i32, i32
  }
  func.func @transform_2(%arg0: i32) -> (i32, i32) {
    %c0_i32 = arith.constant 0 : i32
    %c0_i32_0 = arith.constant 0 : i32
    return %arg0, %c0_i32 : i32, i32
  }
}

module attributes {stable_mosaic.version = 14 : i64} {
  func.func @_add_body(%arg0: i32, %arg1: memref<2x1024x128xf32, #tpu.memory_space<vmem>>, %arg2: memref<1024x128xf32, #tpu.memory_space<vmem>>) attributes {dimension_semantics = [#tpu.dimension_semantics<arbitrary>], iteration_bounds = array<i64: 10>, scalar_prefetch = 0 : i64, scratch_operands = 0 : i64, tpu.core_type = #tpu.core_type<tc>, window_params = [{transform_indices = @transform_0, window_bounds = array<i64: 2, 1024, 128>}, {transform_indices = @transform_1, window_bounds = array<i64: 1024, 128>}]} {
    %get3A = arith.constant 0 : index
    %get3A_0 = arith.constant 0 : index
    %get3A_1 = arith.constant 0 : index
    %get3A_2 = vector.load %arg1[%get3A, %get3A_0, %get3A_1] : memref<2x1024x128xf32, #tpu.memory_space<vmem>>, vector<1x1024x128xf32>
    %get3A_3 = vector.shape_cast %get3A_2 : vector<1x1024x128xf32> to vector<1024x128xf32>
    %get3A_4 = arith.constant 1 : index
    %get3A_5 = arith.constant 0 : index
    %get3A_6 = arith.constant 0 : index
    %get3A_7 = vector.load %arg1[%get3A_4, %get3A_5, %get3A_6] : memref<2x1024x128xf32, #tpu.memory_space<vmem>>, vector<1x1024x128xf32>
    %get3A_8 = vector.shape_cast %get3A_7 : vector<1x1024x128xf32> to vector<1024x128xf32>
    %add3A = arith.addf %get3A_3, %get3A_8 : vector<1024x128xf32>
    %swap3A = arith.constant 0 : index
    %swap3A_9 = arith.constant 0 : index
    %swap3A_10 = vector.load %arg2[%swap3A, %swap3A_9] : memref<1024x128xf32, #tpu.memory_space<vmem>>, vector<1024x128xf32>
    tpu.vector_store %arg2[%swap3A, %swap3A_9], %add3A {strides = array<i32>} : memref<1024x128xf32, #tpu.memory_space<vmem>>, vector<1024x128xf32>,
    return
  }
  func.func @transform_0(%arg0: i32) -> (i32, i32, i32) {
    %c0_i32 = arith.constant 0 : i32
    %c0_i32_0 = arith.constant 0 : i32
    %c0_i32_1 = arith.constant 0 : i32
    return %c0_i32, %arg0, %c0_i32_0 : i32, i32, i32
  }
  func.func @transform_1(%arg0: i32) -> (i32, i32) {
    %c0_i32 = arith.constant 0 : i32
    %c0_i32_0 = arith.constant 0 : i32
    return %arg0, %c0_i32 : i32, i32
  }
}

module attributes {stable_mosaic.version = 14 : i64} {
  func.func @_final_body(%arg0: memref<2x2048x128xf32, #tpu.memory_space<vmem>>, %arg1: memref<128x64xf32, #tpu.memory_space<vmem>>, %arg2: memref<2048x2048xf32, #tpu.memory_space<vmem>>) attributes {dimension_semantics = [], scalar_prefetch = 0 : i64, scratch_operands = 0 : i64, tpu.core_type = #tpu.core_type<tc>} {
    %get3A = arith.constant 0 : index
    %get3A_0 = arith.constant 0 : index
    %get3A_1 = arith.constant 0 : index
    %get3A_2 = vector.load %arg0[%get3A, %get3A_0, %get3A_1] : memref<2x2048x128xf32, #tpu.memory_space<vmem>>, vector<1x2048x128xf32>
    %get3A_3 = vector.shape_cast %get3A_2 : vector<1x2048x128xf32> to vector<2048x128xf32>
    %get3A_4 = arith.constant 1 : index
    %get3A_5 = arith.constant 0 : index
    %get3A_6 = arith.constant 0 : index
    %get3A_7 = vector.load %arg0[%get3A_4, %get3A_5, %get3A_6] : memref<2x2048x128xf32, #tpu.memory_space<vmem>>, vector<1x2048x128xf32>
    %get3A_8 = vector.shape_cast %get3A_7 : vector<1x2048x128xf32> to vector<2048x128xf32>
    %add3A = arith.addf %get3A_3, %get3A_8 : vector<2048x128xf32>
    %get3A_9 = arith.constant 0 : index
    %get3A_10 = arith.constant 0 : index
    %get3A_11 = vector.load %arg1[%get3A_9, %get3A_10] : memref<128x64xf32, #tpu.memory_space<vmem>>, vector<128x64xf32>
    %dot_general3A = arith.constant dense<0.000000e+00> : vector<2048x64xf32>
    %dot_general3A_12 = tpu.matmul %add3A, %get3A_11, %dot_general3A {dimension_numbers = #tpu.dot_dimension_numbers<[1], [0], [0], [1], [0, 0, 1, 1], [], []>, precision = #tpu.contract_precision<fp32>, transpose_lhs_hint = false} : vector<2048x128xf32>, vector<128x64xf32>, vector<2048x64xf32> -> vector<2048x64xf32>
    %max3A = arith.constant 0.000000e+00 : f32
    %max3A_13 = vector.broadcast %max3A : f32 to vector<2048x64xf32>
    %max3A_14 = arith.maximumf %dot_general3A_12, %max3A_13 : vector<2048x64xf32>
    %dot_general3A_15 = arith.constant dense<0.000000e+00> : vector<2048x2048xf32>
    %dot_general3A_16 = tpu.matmul %max3A_14, %max3A_14, %dot_general3A_15 {dimension_numbers = #tpu.dot_dimension_numbers<[1], [1], [0], [0], [0, 0, 1, 0], [], []>, precision = #tpu.contract_precision<fp32>, transpose_lhs_hint = false} : vector<2048x64xf32>, vector<2048x64xf32>, vector<2048x2048xf32> -> vector<2048x2048xf32>
    %swap3A = arith.constant 0 : index
    %swap3A_17 = arith.constant 0 : index
    %swap3A_18 = vector.load %arg2[%swap3A, %swap3A_17] : memref<2048x2048xf32, #tpu.memory_space<vmem>>, vector<2048x2048xf32>
    tpu.vector_store %arg2[%swap3A, %swap3A_17], %dot_general3A_16 {strides = array<i32>} : memref<2048x2048xf32, #tpu.memory_space<vmem>>, vector<2048x2048xf32>,
    return
  }
}

</mosaic_0001>

<sc_bundles>
// kernel: kernel.11.cloned.1.call-start
scs
__scs_entry_jumppad:
0x0: {  	(pc) =	sbr.rel $0x88, $3  }
0x1: {  	(tag) =	ssettag $0x0;
	lr =	simm.s32 $0x1  }
0x2: {  	[smem:$0x3F9C] =	sst lr;
	_ =	strace $0xD0000000  }
0x3: {  	_ = 	snop  }
0x4: {  	_ = 	snop  }
0x5: {  	_ = 	snop  }
0x6: {  	_ = 	snop  }
0x7: {  	_ = 	snop  }
__scs_overlays_trampoline_lowered:
0x8: {  	[smem:$0x3FAB] =	sst s0  }
0x9: {  	[smem:$0x3FAC] =	sst s1  }
0xa: {  	[smem:$0x3FAD] =	sst s2  }
0xb: {  	[smem:$0x3FAE] =	sst s3  }
0xc: {  	[smem:$0x3FAF] =	sst s4  }
0xd: {  	[smem:$0x3FB0] =	sst s5  }
0xe: {  	[smem:$0x3FB1] =	sst s6  }
0xf: {  	[smem:$0x3FB2] =	sst s7  }
0x10: {  	[smem:$0x3FB3] =	sst s8  }
0x11: {  	[smem:$0x3FB4] =	sst s9;
	s0 =	simm.s32 @!p0 $0x0  }
0x12: {  	s1 =	sld [smem:$0x3F9A];
	s0 =	simm.s32 @p0 $0x1  }
0x13: {  	[smem:$0x3FB5] =	sst s0;
	s0 =	simm.s32 @!p1 $0x0  }
0x14: {  	s2 =	sld [smem:$0x3F99];
	s0 =	simm.s32 @p1 $0x1  }
0x15: {  	[smem:$0x3FB6] =	sst s0;
	s0 =	simm.s32 @!p2 $0x0  }
0x16: {  	s3 =	sld [smem:$0x3FDB];
	s0 =	simm.s32 @p2 $0x1  }
0x17: {  	s4 =	simm.s32 $0x1BF5;
	[smem:$0x3FB8] =	sst s0  }
0x18: {  	s0 =	sld [smem:$0x3F9B];
	_ =	swait.ge [sflag:s4], $0x0  }
0x19: {  	s7 =	sld [smem:$0x3F9C]  }
0x1a: {  	s8 =	sadd.s32 $0xFFFFE003, lr  }
0x1b: {  	s9 =	sadd.s32 $0xFFFFFEF7, lr;
	s5 =	simm.s32 $0xFFFFFFFF;
	p2 =	slt.u32 s8, $0xFFFFF086  }
0x1c: {  	p1 =	slt.u32 s9, $0xF7A;
	s5 =	simm.s32 @!p2 $0x0  }
0x1d: {  	s5 =	simm.s32 @p1 $0x1;
	p0 =	seq.s32 s7, s2  }
0x1e: {  	s7 =	smul.u32 @!p0 $0xF7A, s2;
	p2 =	seq.s32 @!p0 s5, $0x0  }
0x1f: {  	s9 =	smul.u32 $0xF7A, s1;
	s8 =	simm.s32 @!p0 $0x1BF5;
	p2 =	por !p2, p0  }
0x20: {  	[sflag:s8] =	ssyncset.s32 @!p0 $0xFFFFF086;
	s6 =	sadd.s32 @!p0 s3, s7;
	s7 =	simm.s32 @!p0 $0x108  }
0x21: {  	s3 =	sadd.s32 s3, s9;
	s6 =	sadd.s32 @!p0 $0x88, s6;
	s7 =	simm.s32 @p2 $0x1082  }
0x22: {  	[simem:s7], [sflag:s8] =	dma.local @!p0 [hbm:s6], $0xF7A  }
0x23: {  	s9 =	sor.u32 $0xD0000000, s2;
	s6 =	simm.s32 $0x108;
	_ =	swait.ge @!p0 [sflag:s8], $0x0  }
0x24: {  	s3 =	sadd.s32 $0x88, s3;
	s6 =	simm.s32 @!p1 $0x1082;
	[sflag:s4] =	ssyncset.s32 $0xFFFFF086  }
0x25: {  	[simem:s6], [sflag:s4] =	dma.local [hbm:s3], $0xF7A  }
0x26: {  	[smem:$0x3F9C] =	sst s1;
	(tag) =	ssettag s2;
	_ =	strace s9  }
0x27: {  	s1 =	sld [smem:$0x3FAC]  }
0x28: {  	s2 =	sld [smem:$0x3FAD]  }
0x29: {  	s4 =	sld [smem:$0x3FAF]  }
0x2a: {  	p0 =	seq.s32 s5, $0x0;
	s5 =	sld [smem:$0x3FB0]  }
0x2b: {  	s6 =	sld [smem:$0x3FB1]  }
0x2c: {  	s7 =	sld [smem:$0x3FB2]  }
0x2d: {  	s3 =	simm.s32 $0x108;
	s8 =	sld [smem:$0x3FB3]  }
0x2e: {  	s3 =	simm.s32 @!p0 $0x1082;
	s9 =	sld [smem:$0x3FB4]  }
0x2f: {  	lr =	sadd.s32 s0, s3;
	s0 =	sld [smem:$0x3FAB]  }
0x30: {  	s3 =	sld [smem:$0x3FAE]  }
0x31: {  	[smem:$0x3FB7] =	sst s10  }
0x32: {  	s10 =	sld [smem:$0x3FB5];
	_ =	sdelay $0x3  }
0x33: {  	p0 =	seq.s32 s10, $0x1;
	s10 =	sld [smem:$0x3FB7];
	_ =	sdelay $0x3  }
0x34: {  	[smem:$0x3FB7] =	sst s10  }
0x35: {  	s10 =	sld [smem:$0x3FB6];
	_ =	sdelay $0x3  }
0x36: {  	p1 =	seq.s32 s10, $0x1;
	s10 =	sld [smem:$0x3FB7];
	_ =	sdelay $0x3  }
0x37: {  	[smem:$0x3FB7] =	sst s10  }
0x38: {  	s10 =	sld [smem:$0x3FB8]  }
0x39: {  	_ = 	snop;
	(pc) =	sbr.ind lr, $3  }
0x3a: {  	_ = 	snop  }
0x3b: {  	_ = 	snop  }
0x3c: {  	p2 =	seq.s32 s10, $0x1;
	s10 =	sld [smem:$0x3FB7]  }
0x3d: {  	_ =	shalt  }
0x3e: {  	_ =	shalt  }
0x3f: {  	_ =	shalt  }
0x40: {  	_ =	shalt  }
0x41: {  	_ =	shalt  }
0x42: {  	_ =	shalt  }
0x43: {  	_ =	shalt  }
0x44: {  	_ =	shalt  }
0x45: {  	_ =	shalt  }
0x46: {  	_ =	shalt  }
0x47: {  	_ =	shalt  }
0x48: {  	_ =	shalt  }
0x49: {  	_ =	shalt  }
0x4a: {  	_ =	shalt  }
0x4b: {  	_ =	shalt  }
0x4c: {  	_ =	shalt  }
0x4d: {  	_ =	shalt  }
0x4e: {  	_ =	shalt  }
0x4f: {  	_ =	shalt  }
0x50: {  	_ =	shalt  }
0x51: {  	_ =	shalt  }
0x52: {  	_ =	shalt  }
0x53: {  	_ =	shalt  }
0x54: {  	_ =	shalt  }
0x55: {  	_ =	shalt  }
0x56: {  	_ =	shalt  }
0x57: {  	_ =	shalt  }
0x58: {  	_ =	shalt  }
0x59: {  	_ =	shalt  }
0x5a: {  	_ =	shalt  }
0x5b: {  	_ =	shalt  }
0x5c: {  	_ =	shalt  }
0x5d: {  	_ =	shalt  }
0x5e: {  	_ =	shalt  }
0x5f: {  	_ =	shalt  }
0x60: {  	_ =	shalt  }
0x61: {  	_ =	shalt  }
0x62: {  	_ =	shalt  }
0x63: {  	_ =	shalt  }
0x64: {  	_ =	shalt  }
0x65: {  	_ =	shalt  }
0x66: {  	_ =	shalt  }
0x67: {  	_ =	shalt  }
0x68: {  	_ =	shalt  }
0x69: {  	_ =	shalt  }
0x6a: {  	_ =	shalt  }
0x6b: {  	_ =	shalt  }
0x6c: {  	_ =	shalt  }
0x6d: {  	_ =	shalt  }
0x6e: {  	_ =	shalt  }
0x6f: {  	_ =	shalt  }
0x70: {  	_ =	shalt  }
0x71: {  	_ =	shalt  }
0x72: {  	_ =	shalt  }
0x73: {  	_ =	shalt  }
0x74: {  	_ =	shalt  }
0x75: {  	_ =	shalt  }
0x76: {  	_ =	shalt  }
0x77: {  	_ =	shalt  }
0x78: {  	_ =	shalt  }
0x79: {  	_ =	shalt  }
0x7a: {  	_ =	shalt  }
0x7b: {  	_ =	shalt  }
0x7c: {  	_ =	shalt  }
0x7d: {  	_ =	shalt  }
0x7e: {  	_ =	shalt  }
0x7f: {  	_ =	shalt  }
0x80: {  	_ =	shalt  }
0x81: {  	_ =	shalt  }
0x82: {  	_ =	shalt  }
0x83: {  	_ =	shalt  }
0x84: {  	_ =	shalt  }
0x85: {  	_ =	shalt  }
0x86: {  	_ =	shalt  }
0x87: {  	_ =	shalt  }
.Lfunc_end0:
.L_simem_size_0:
called_computation.1_lowered:
.L_overlay_start_0:
0x88: {  	s2 =	sld [smem:$0x3FD9]  }
0x89: {  	s3 =	sld [smem:$0x3FFE];
	_ =	sdelay $0x1  }
0x8a: {  	s1 =	srdreg.scid  }
0x8b: {  	s0 =	sand.u32 $0x1, s1  }
0x8c: {  	s17 =	sshll.u32 s0, $0xA;
	s2 =	sadd.s32 s3, s2  }
0x8d: {  	s2 =	sadd.s32 s2, s17  }
0x8e: {  	[smem:$0x3FC3] =	sst s2  }
0x8f: {  	_ = 	snop  }
0x90: {  	s2 =	sld [smem:$0x3FD0];
	(tm) =	ssettm $0x1  }
0x91: {  	s18 =	sld [smem:$0x3FFB];
	_ =	sdelay $0x3  }
0x92: {  	_ =	strace s18  }
0x93: {  	s3 =	sld [smem:$0x3FFC];
	_ =	sdelay $0x3  }
0x94: {  	_ =	strace s3  }
0x95: {  	s3 =	sld [smem:$0x3FFD];
	_ =	sdelay $0x3  }
0x96: {  	_ =	strace s3  }
0x97: {  	_ =	strace $0x8FFFFFFF  }
0x98: {  	s19 =	sld [smem:$0x3FDB];
	_ =	sdelay $0x1  }
0x99: {  	s4 =	simm.s32 $_scs_section_size  }
0x9a: {  	s5 =	simm.s32 $_size__tile_overlayer_lowered;
	s6 =	simm.s32 $_tile_overlayer_lowered  }
0x9b: {  	s22 =	simm.s32 $0x1BFF;
	s21 =	sshll.u32 s6, $0x1;
	s3 =	sadd.s32 s4, s19  }
0x9c: {  	s7 =	simm.s32 $0x0;
	s20 =	sshll.u32 s5, $0x1;
	s5 =	sadd.s32 s21, s3  }
0x9d: {  	[timem:s7], [sflag:s22] =	dma.local [hbm:s5], s20  }
0x9e: {  	_ =	swait.ge [sflag:s22], s20  }
0x9f: {  	s4 =	ssub.s32 $0x0, s20;
	[sflag:s22] =	ssyncset.done $0x0  }
0xa0: {  	[sflag:s22] =	ssyncadd.s32 s4;
	_ =	sdelay $0x1  }
0xa1: {  	s23 =	simm.s32 $0x1B8B  }
0xa2: {  	_ =	swait.ge [sflag:s23], $0x1  }
0xa3: {  	[sflag:s23] =	ssyncset.done $0x0  }
0xa4: {  	s25 =	simm.s32 $0x1B8E;
	s24 =	sld [smem:$0x3FFE];
	[sflag:s23] =	ssyncadd.s32 $0xFFFFFFFF  }
0xa5: {  	s26 =	simm.s32 $execute0_lowered;
	[smem:$0x3FD2] =	sst s25  }
0xa6: {  	s5 =	sshll.u32 s26, $0x1;
	_ =	strace $0x80000049;
	[dreg:$0x1] =	wrdreg $0xFFFFFFFF  }
0xa7: {  	s28 =	simm.s32 $_size_execute0_lowered;
	s3 =	sadd.s32 s3, s5;
	[dreg:$0x0] =	wrdreg $0x0  }
0xa8: {  	s5 =	sshll.u32 s28, $0x1;
	[dreg:$0x2] =	wrdreg s3  }
0xa9: {  	[dreg:$0x3] =	wrdreg s5  }
0xaa: {  	[dreg:$0x4] =	wrdreg $0xC0  }
0xab: {  	_ =	task [dreg:s7], $0x5FFFF  }
0xac: {  	[dreg:$0x1] =	wrdreg $0xFFFFFFFF  }
0xad: {  	[dreg:$0x0] =	wrdreg $0x60  }
0xae: {  	[dreg:$0x2] =	wrdreg s24  }
0xaf: {  	[dreg:$0x3] =	wrdreg s2  }
0xb0: {  	[dreg:$0x4] =	wrdreg $0xB8000  }
0xb1: {  	[dreg:$0x5] =	wrdreg $0x9  }
0xb2: {  	_ =	task.clear_ibuf [dreg:s7], $0x6FFFF;
	_ =	strace $0x90000049  }
0xb3: {  	s29 =	simm.s32 $0x9;
	_ =	strace $0x8000004B  }
0xb4: {  	_ =	swait.ge [sflag:s29], $0x1  }
0xb5: {  	[sflag:s29] =	ssyncadd.s32 $0xFFFFFFFF  }
0xb6: {  	_ =	strace $0x9000004B  }
0xb7: {  	_ =	sfence  }
0xb8: {  	s30 =	sld [smem:$0x0];
	_ =	sdelay $0x2  }
0xb9: {  	s31 =	sshll.u32 s1, $0xD;
	s1 =	sshrl.u32 s1, $0x2  }
0xba: {  	s3 =	sand.u32 $0x4000, s31;
	s1 =	sadd.s32 s1, s30  }
0xbb: {  	s0 =	sor.u32 s3, s0;
	s1 =	sshll.u32 s1, $0x11  }
0xbc: {  	s0 =	sor.u32 s1, s0  }
0xbd: {  	s0 =	sadd.s32 $0x8F2B, s0  }
0xbe: {  	[sflag:s0] =	ssyncadd.remote.s32 $0x1  }
0xbf: {  	_ =	sfence.sel $0xFFFF  }
0xc0: {  	[dreg:$0x0] =	wrdreg $0xFFFFFFFF;
	(pc) =	sbr.abs _section_cstart, $3  }
0xc1: {  	[dreg:$0x1] =	wrdreg $0xFFFFFFFF  }
0xc2: {  	_ =	task.clear_ibuf [dreg:s7], $0x2FFFF;
	_ =	strace $0x9FFFFFFF  }
0xc3: {  	(tm) =	ssettm $0x7FFFFFFF  }
tec
execute0_lowered:
.L_overlay_start_1:
0x0: {  	(tag) =	ssettag $0x1  }
0x1: {  	s5 =	rddreg [dreg:$0x0]  }
0x2: {  	s11 =	rddreg [dreg:$0x1]  }
0x3: {  	s1 =	rddreg [dreg:$0x2]  }
0x4: {  	s0 =	rddreg [dreg:$0x3]  }
0x5: {  	s2 =	simm.s32 $0x0;
	s4 =	srdreg.scid;
	s3 =	stileid.u32  }
0x6: {  	s18 =	simm.s32 $0x0;
	[smem:$0x7FF] =	sst s2;
	s6 =	smul.u32 $0x50000, s3  }
0x7: {  	s9 =	sadd.s32 $0xB600, s5;
	s10 =	sadd.s32 $0x1600, s5;
	s12 =	smul.u32 $0x1400, s3  }
0x8: {  	s13 =	sand.u32 $0x1, s4;
	s4 =	sadd.s32 $0x3F000, s5;
	s30 =	smul.u32 $0x14000, s3  }
0x9: {  	s5 =	sadd.s32 $0x3C800, s5;
	s28 =	sshll.u32 s3, $0x6;
	s17 =	smul.u32 $0x780, s3  }
0xa: {  	_ =	strace $0x8000004A;
	s7 =	ssub.s32 $0x2, s13;
	s16 =	smul.u32 $0x140000, s13  }
0xb: {  	p0 =	sne.s32 s13, $0x0;
	s8 =	sshrl.u32 s7, $0x1;
	s6 =	sshrl.u32 s6, $0x2  }
0xc: {  	s29 =	sshrl.u32 s12, $0x3;
	s14 =	ssub.s32 s7, s8;
	s15 =	sadd.s32 s6, s1  }
0xd: {  	s6 =	sor.u32 $0x1C02, s28;
	s31 =	sadd.s32 $0x7800, s29;
	s12 =	sadd.s32 s30, s16  }
0xe: {  	s16 =	simm.s32 $0x7800;
	s7 =	sadd.s32 s9, s31;
	s8 =	sadd.s32 s10, s31  }
0xf: {  	s9 =	sadd.s32 s9, s17;
	s10 =	sadd.s32 s10, s17;
	s12 =	sshrl.u32 s12, $0x3  }
0x10: {  	s13 =	sshrl.u32 s15, $0x3;
	s15 =	simm.s32 $0x80;
	s17 =	simm.s32 $0x1  }
0x11: {  	s11 =	sadd.s32 s11, s12;
	s12 =	smax.u32 s14, $0x1;
	s14 =	simm.s32 $0x2  }
.LBB2_1:
0x12: {  	[spmem:s13], [sflag:s6] =	dma.local [hbm:s5], $0x2800  }
0x13: {  	_ =	swait.ge [sflag:s14], $0x2800  }
0x14: {  	[sflag:s14] =	ssyncset.done $0x0  }
0x15: {  	s19 =	simm.s32 @p0 $0x0;
	s20 =	simm.s32 @p0 $0x2;
	[sflag:s14] =	ssyncadd.s32 $0xFFFFD800  }
0x16: {  	[tilespmem:s19], [sflag:$0x2] =	stream.linear.gather @p0 [hbm4b:s7+s19], $0x1400, $0x38;
	[tilespmem:$0x1F800] =	vst v63  }
0x17: {  	_ =	swait.ge @p0 [sflag:s20], $0x1400  }
0x18: {  	[sflag:s20] =	ssyncset.done @p0 $0x0  }
0x19: {  	s21 =	simm.s32 @p0 $0x3C00;
	[sflag:s20] =	ssyncadd.s32 @p0 $0xFFFFEC00  }
0x1a: {  	[tilespmem:s21], [sflag:$0x2] =	stream.linear.gather @p0 [hbm4b:s8+s19], $0x1400, $0x38;
	[tilespmem:$0x1F800] =	vst v63  }
0x1b: {  	_ =	swait.ge @p0 [sflag:s20], $0x1400  }
0x1c: {  	[sflag:s20] =	ssyncset.done @p0 $0x0  }
0x1d: {  	s19 =	simm.s32 @!p0 $0x0;
	[sflag:s20] =	ssyncadd.s32 @p0 $0xFFFFEC00;
	s20 =	simm.s32 @!p0 $0x2  }
0x1e: {  	[tilespmem:s19], [sflag:$0x2] =	stream.linear.gather @!p0 [hbm4b:s9+s19], $0x3C00, $0x38;
	[tilespmem:$0x1F800] =	vst v63  }
0x1f: {  	_ =	swait.ge @!p0 [sflag:s20], $0x3C00  }
0x20: {  	[sflag:s20] =	ssyncset.done @!p0 $0x0  }
0x21: {  	s21 =	simm.s32 @!p0 $0x3C00;
	[sflag:s20] =	ssyncadd.s32 @!p0 $0xFFFFC400  }
0x22: {  	[tilespmem:s21], [sflag:$0x2] =	stream.linear.gather @!p0 [hbm4b:s10+s19], $0x3C00, $0x38;
	[tilespmem:$0x1F800] =	vst v63  }
0x23: {  	_ =	swait.ge @!p0 [sflag:s20], $0x3C00  }
0x24: {  	[sflag:s20] =	ssyncset.done @!p0 $0x0  }
0x25: {  	[sflag:s20] =	ssyncadd.s32 @!p0 $0xFFFFC400;
	s20 =	simm.s32 @!p0 $0x78  }
0x26: {  	[bflag:$0x0] =	sbarrier.arrive $0xFFFF;
	s20 =	simm.s32 @p0 $0x28  }
0x27: {  	[tilespmem:s16], [sflag:$0x1] =	stream.indirect.gather [hbm4b:s4+s15], $0x80, s2, s15, $0xb8;
	[tilespmem:$0x1F800] =	vst v63  }
0x28: {  	p1 =	sne.s32 s20, $0x1;
	_ =	swait.ge [sflag:s17], $0x4000  }
.Ltmp0:
0x29: {  	[sflag:s17] =	ssyncset.done $0x0;
	(pc) =	sbr.rel @!p1 .LBB2_3-.Ltmp0, $4  }
0x2a: {  	s19 =	simm.s32 $0x3C00;
	[sflag:s17] =	ssyncadd.s32 $0xFFFFC000  }
0x2b: {  	[spmem:s1] =	stream.indirect.scatter.add.f32 [tilespmem:s16], [sflag:$0x2], $0x80, s19, s15, $0xb8;
	[tilespmem:$0x1F800] =	vst v63  }
0x2c: {  	_ =	swait.ge [sflag:s14], $0x4000  }
0x2d: {  	s21 =	simm.s32 $0x0;
	s20 =	sadd.s32 $0xFFFFFFFF, s20;
	[sflag:s14] =	ssyncset.done $0x0  }
.LBB2_2:
0x2e: {  	[sflag:s14] =	ssyncadd.s32 $0xFFFFC000;
	s21 =	sadd.s32 $0x80, s21;
	s19 =	sadd.s32 $0x80, s19  }
0x2f: {  	[tilespmem:s16], [sflag:$0x1] =	stream.indirect.gather [hbm4b:s4+s15], $0x80, s21, s15, $0xb8;
	[tilespmem:$0x1F800] =	vst v63  }
0x30: {  	p1 =	sne.s32 s20, $0x1;
	s20 =	sadd.s32 $0xFFFFFFFF, s20;
	_ =	swait.ge [sflag:s17], $0x4000  }
.Ltmp1:
0x31: {  	[sflag:s17] =	ssyncset.done $0x0;
	(pc) =	sbr.rel @p1 .LBB2_2-.Ltmp1, $4  }
0x32: {  	[sflag:s17] =	ssyncadd.s32 $0xFFFFC000  }
0x33: {  	[spmem:s1] =	stream.indirect.scatter.add.f32 [tilespmem:s16], [sflag:$0x2], $0x80, s19, s15, $0xb8;
	[tilespmem:$0x1F800] =	vst v63  }
0x34: {  	_ =	swait.ge [sflag:s14], $0x4000  }
0x35: {  	[sflag:s14] =	ssyncset.done $0x0  }
.LBB2_3:
0x36: {  	s18 =	sadd.s32 $0x1, s18  }
0x37: {  	[sflag:s14] =	ssyncadd.s32 $0xFFFFC000;
	p1 =	sne.s32 s18, s12  }
.Ltmp2:
0x38: {  	[bflag:$0x0] =	sbarrier.arrive $0xFFFF;
	(pc) =	sbr.rel @p1 .LBB2_1-.Ltmp2, $4  }
0x39: {  	[hbm:s11], [sflag:s6] =	dma.local [spmem:s13], $0x2800  }
0x3a: {  	_ =	swait.ge [sflag:s14], $0x2800  }
0x3b: {  	[sflag:s14] =	ssyncset.done $0x0  }
0x3c: {  	[sflag:s14] =	ssyncadd.s32 $0xFFFFD800  }
0x3d: {  	_ =	sfence.sel $0x180000  }
0x3e: {  	[bflag:$0x0] =	sbarrier.arrive $0xFFFF  }
0x3f: {  	p0 =	sne.s32 s3, $0x0;
	_ =	strace $0x9000004A  }
0x40: {  	s0 =	sadd.s32 @!p0 $0x100000, s0;
	[bflag:$0x2] =	sbarrier.arrive $0xFFFF  }
0x41: {  	[sflag:s0] =	ssyncadd.tile.s32 @!p0 $0x1;
	_ =	shalt  }
.Lfunc_end2:
_tile_overlayer_lowered:
.L_overlay_start_2:
0x42: {  	(tag) =	ssettag $0x2  }
0x43: {  	s0 =	rddreg [dreg:$0x0];
	s2 =	stileid.u32  }
0x44: {  	s1 =	rddreg [dreg:$0x1];
	p0 =	sne.s32 s2, $0x0  }
0x45: {  	s3 =	rddreg [dreg:$0x2];
	[bflag:$0x3] =	sbarrier.arrive $0xFFFF;
	s2 =	simm.s32 @!p0 $0x1C02  }
0x46: {  	[timem:s3], [sflag:s2] =	dma.local @!p0 [hbm:s0], s1  }
0x47: {  	s0 =	simm.s32 @!p0 $0x2  }
0x48: {  	_ =	swait.ge @!p0 [sflag:s0], s1  }
0x49: {  	s1 =	ssub.s32 @!p0 $0x0, s1;
	[sflag:s0] =	ssyncset.done @!p0 $0x0  }
0x4a: {  	[sflag:s0] =	ssyncadd.s32 @!p0 s1  }
0x4b: {  	[bflag:$0x3] =	sbarrier.arrive $0xFFFF  }
0x4c: {  	_ =	shalt  }

// kernel: kernel.14.cloned.1.call-start
scs
__scs_entry_jumppad:
0x0: {  	(pc) =	sbr.rel $0x88, $3  }
0x1: {  	(tag) =	ssettag $0x0;
	lr =	simm.s32 $0x1  }
0x2: {  	[smem:$0x3F9C] =	sst lr;
	_ =	strace $0xD0000000  }
0x3: {  	_ = 	snop  }
0x4: {  	_ = 	snop  }
0x5: {  	_ = 	snop  }
0x6: {  	_ = 	snop  }
0x7: {  	_ = 	snop  }
__scs_overlays_trampoline_lowered:
0x8: {  	[smem:$0x3FAB] =	sst s0  }
0x9: {  	[smem:$0x3FAC] =	sst s1  }
0xa: {  	[smem:$0x3FAD] =	sst s2  }
0xb: {  	[smem:$0x3FAE] =	sst s3  }
0xc: {  	[smem:$0x3FAF] =	sst s4  }
0xd: {  	[smem:$0x3FB0] =	sst s5  }
0xe: {  	[smem:$0x3FB1] =	sst s6  }
0xf: {  	[smem:$0x3FB2] =	sst s7  }
0x10: {  	[smem:$0x3FB3] =	sst s8  }
0x11: {  	[smem:$0x3FB4] =	sst s9;
	s0 =	simm.s32 @!p0 $0x0  }
0x12: {  	s1 =	sld [smem:$0x3F9A];
	s0 =	simm.s32 @p0 $0x1  }
0x13: {  	[smem:$0x3FB5] =	sst s0;
	s0 =	simm.s32 @!p1 $0x0  }
0x14: {  	s2 =	sld [smem:$0x3F99];
	s0 =	simm.s32 @p1 $0x1  }
0x15: {  	[smem:$0x3FB6] =	sst s0;
	s0 =	simm.s32 @!p2 $0x0  }
0x16: {  	s3 =	sld [smem:$0x3FDB];
	s0 =	simm.s32 @p2 $0x1  }
0x17: {  	s4 =	simm.s32 $0x1BF5;
	[smem:$0x3FB8] =	sst s0  }
0x18: {  	s0 =	sld [smem:$0x3F9B];
	_ =	swait.ge [sflag:s4], $0x0  }
0x19: {  	s7 =	sld [smem:$0x3F9C]  }
0x1a: {  	s8 =	sadd.s32 $0xFFFFE003, lr  }
0x1b: {  	s9 =	sadd.s32 $0xFFFFFEF7, lr;
	s5 =	simm.s32 $0xFFFFFFFF;
	p2 =	slt.u32 s8, $0xFFFFF086  }
0x1c: {  	p1 =	slt.u32 s9, $0xF7A;
	s5 =	simm.s32 @!p2 $0x0  }
0x1d: {  	s5 =	simm.s32 @p1 $0x1;
	p0 =	seq.s32 s7, s2  }
0x1e: {  	s7 =	smul.u32 @!p0 $0xF7A, s2;
	p2 =	seq.s32 @!p0 s5, $0x0  }
0x1f: {  	s9 =	smul.u32 $0xF7A, s1;
	s8 =	simm.s32 @!p0 $0x1BF5;
	p2 =	por !p2, p0  }
0x20: {  	[sflag:s8] =	ssyncset.s32 @!p0 $0xFFFFF086;
	s6 =	sadd.s32 @!p0 s3, s7;
	s7 =	simm.s32 @!p0 $0x108  }
0x21: {  	s3 =	sadd.s32 s3, s9;
	s6 =	sadd.s32 @!p0 $0x88, s6;
	s7 =	simm.s32 @p2 $0x1082  }
0x22: {  	[simem:s7], [sflag:s8] =	dma.local @!p0 [hbm:s6], $0xF7A  }
0x23: {  	s9 =	sor.u32 $0xD0000000, s2;
	s6 =	simm.s32 $0x108;
	_ =	swait.ge @!p0 [sflag:s8], $0x0  }
0x24: {  	s3 =	sadd.s32 $0x88, s3;
	s6 =	simm.s32 @!p1 $0x1082;
	[sflag:s4] =	ssyncset.s32 $0xFFFFF086  }
0x25: {  	[simem:s6], [sflag:s4] =	dma.local [hbm:s3], $0xF7A  }
0x26: {  	[smem:$0x3F9C] =	sst s1;
	(tag) =	ssettag s2;
	_ =	strace s9  }
0x27: {  	s1 =	sld [smem:$0x3FAC]  }
0x28: {  	s2 =	sld [smem:$0x3FAD]  }
0x29: {  	s4 =	sld [smem:$0x3FAF]  }
0x2a: {  	p0 =	seq.s32 s5, $0x0;
	s5 =	sld [smem:$0x3FB0]  }
0x2b: {  	s6 =	sld [smem:$0x3FB1]  }
0x2c: {  	s7 =	sld [smem:$0x3FB2]  }
0x2d: {  	s3 =	simm.s32 $0x108;
	s8 =	sld [smem:$0x3FB3]  }
0x2e: {  	s3 =	simm.s32 @!p0 $0x1082;
	s9 =	sld [smem:$0x3FB4]  }
0x2f: {  	lr =	sadd.s32 s0, s3;
	s0 =	sld [smem:$0x3FAB]  }
0x30: {  	s3 =	sld [smem:$0x3FAE]  }
0x31: {  	[smem:$0x3FB7] =	sst s10  }
0x32: {  	s10 =	sld [smem:$0x3FB5];
	_ =	sdelay $0x3  }
0x33: {  	p0 =	seq.s32 s10, $0x1;
	s10 =	sld [smem:$0x3FB7];
	_ =	sdelay $0x3  }
0x34: {  	[smem:$0x3FB7] =	sst s10  }
0x35: {  	s10 =	sld [smem:$0x3FB6];
	_ =	sdelay $0x3  }
0x36: {  	p1 =	seq.s32 s10, $0x1;
	s10 =	sld [smem:$0x3FB7];
	_ =	sdelay $0x3  }
0x37: {  	[smem:$0x3FB7] =	sst s10  }
0x38: {  	s10 =	sld [smem:$0x3FB8]  }
0x39: {  	_ = 	snop;
	(pc) =	sbr.ind lr, $3  }
0x3a: {  	_ = 	snop  }
0x3b: {  	_ = 	snop  }
0x3c: {  	p2 =	seq.s32 s10, $0x1;
	s10 =	sld [smem:$0x3FB7]  }
0x3d: {  	_ =	shalt  }
0x3e: {  	_ =	shalt  }
0x3f: {  	_ =	shalt  }
0x40: {  	_ =	shalt  }
0x41: {  	_ =	shalt  }
0x42: {  	_ =	shalt  }
0x43: {  	_ =	shalt  }
0x44: {  	_ =	shalt  }
0x45: {  	_ =	shalt  }
0x46: {  	_ =	shalt  }
0x47: {  	_ =	shalt  }
0x48: {  	_ =	shalt  }
0x49: {  	_ =	shalt  }
0x4a: {  	_ =	shalt  }
0x4b: {  	_ =	shalt  }
0x4c: {  	_ =	shalt  }
0x4d: {  	_ =	shalt  }
0x4e: {  	_ =	shalt  }
0x4f: {  	_ =	shalt  }
0x50: {  	_ =	shalt  }
0x51: {  	_ =	shalt  }
0x52: {  	_ =	shalt  }
0x53: {  	_ =	shalt  }
0x54: {  	_ =	shalt  }
0x55: {  	_ =	shalt  }
0x56: {  	_ =	shalt  }
0x57: {  	_ =	shalt  }
0x58: {  	_ =	shalt  }
0x59: {  	_ =	shalt  }
0x5a: {  	_ =	shalt  }
0x5b: {  	_ =	shalt  }
0x5c: {  	_ =	shalt  }
0x5d: {  	_ =	shalt  }
0x5e: {  	_ =	shalt  }
0x5f: {  	_ =	shalt  }
0x60: {  	_ =	shalt  }
0x61: {  	_ =	shalt  }
0x62: {  	_ =	shalt  }
0x63: {  	_ =	shalt  }
0x64: {  	_ =	shalt  }
0x65: {  	_ =	shalt  }
0x66: {  	_ =	shalt  }
0x67: {  	_ =	shalt  }
0x68: {  	_ =	shalt  }
0x69: {  	_ =	shalt  }
0x6a: {  	_ =	shalt  }
0x6b: {  	_ =	shalt  }
0x6c: {  	_ =	shalt  }
0x6d: {  	_ =	shalt  }
0x6e: {  	_ =	shalt  }
0x6f: {  	_ =	shalt  }
0x70: {  	_ =	shalt  }
0x71: {  	_ =	shalt  }
0x72: {  	_ =	shalt  }
0x73: {  	_ =	shalt  }
0x74: {  	_ =	shalt  }
0x75: {  	_ =	shalt  }
0x76: {  	_ =	shalt  }
0x77: {  	_ =	shalt  }
0x78: {  	_ =	shalt  }
0x79: {  	_ =	shalt  }
0x7a: {  	_ =	shalt  }
0x7b: {  	_ =	shalt  }
0x7c: {  	_ =	shalt  }
0x7d: {  	_ =	shalt  }
0x7e: {  	_ =	shalt  }
0x7f: {  	_ =	shalt  }
0x80: {  	_ =	shalt  }
0x81: {  	_ =	shalt  }
0x82: {  	_ =	shalt  }
0x83: {  	_ =	shalt  }
0x84: {  	_ =	shalt  }
0x85: {  	_ =	shalt  }
0x86: {  	_ =	shalt  }
0x87: {  	_ =	shalt  }
.Lfunc_end0:
.L_simem_size_0:
called_computation.2_lowered:
.L_overlay_start_0:
0x88: {  	s2 =	sld [smem:$0x3FD9]  }
0x89: {  	s3 =	sld [smem:$0x3FFE];
	_ =	sdelay $0x1  }
0x8a: {  	s1 =	srdreg.scid  }
0x8b: {  	s0 =	sand.u32 $0x1, s1  }
0x8c: {  	s17 =	sshll.u32 s0, $0xA;
	s2 =	sadd.s32 s3, s2  }
0x8d: {  	s2 =	sadd.s32 s2, s17  }
0x8e: {  	[smem:$0x3FC3] =	sst s2  }
0x8f: {  	_ = 	snop  }
0x90: {  	s2 =	sld [smem:$0x3FD0];
	(tm) =	ssettm $0x1  }
0x91: {  	s18 =	sld [smem:$0x3FFB];
	_ =	sdelay $0x3  }
0x92: {  	_ =	strace s18  }
0x93: {  	s3 =	sld [smem:$0x3FFC];
	_ =	sdelay $0x3  }
0x94: {  	_ =	strace s3  }
0x95: {  	s3 =	sld [smem:$0x3FFD];
	_ =	sdelay $0x3  }
0x96: {  	_ =	strace s3  }
0x97: {  	_ =	strace $0x8FFFFFFF  }
0x98: {  	s19 =	sld [smem:$0x3FDB];
	_ =	sdelay $0x1  }
0x99: {  	s4 =	simm.s32 $_scs_section_size  }
0x9a: {  	s5 =	simm.s32 $_size__tile_overlayer_lowered;
	s6 =	simm.s32 $_tile_overlayer_lowered  }
0x9b: {  	s22 =	simm.s32 $0x1BFF;
	s21 =	sshll.u32 s6, $0x1;
	s3 =	sadd.s32 s4, s19  }
0x9c: {  	s7 =	simm.s32 $0x0;
	s20 =	sshll.u32 s5, $0x1;
	s5 =	sadd.s32 s21, s3  }
0x9d: {  	[timem:s7], [sflag:s22] =	dma.local [hbm:s5], s20  }
0x9e: {  	_ =	swait.ge [sflag:s22], s20  }
0x9f: {  	s4 =	ssub.s32 $0x0, s20;
	[sflag:s22] =	ssyncset.done $0x0  }
0xa0: {  	[sflag:s22] =	ssyncadd.s32 s4;
	_ =	sdelay $0x1  }
0xa1: {  	s23 =	simm.s32 $0x1B8B  }
0xa2: {  	_ =	swait.ge [sflag:s23], $0x1  }
0xa3: {  	[sflag:s23] =	ssyncset.done $0x0  }
0xa4: {  	s25 =	simm.s32 $0x1B8E;
	s24 =	sld [smem:$0x3FFE];
	[sflag:s23] =	ssyncadd.s32 $0xFFFFFFFF  }
0xa5: {  	s26 =	simm.s32 $execute0_lowered;
	[smem:$0x3FD2] =	sst s25  }
0xa6: {  	s5 =	sshll.u32 s26, $0x1;
	_ =	strace $0x8000004C;
	[dreg:$0x1] =	wrdreg $0xFFFFFFFF  }
0xa7: {  	s28 =	simm.s32 $_size_execute0_lowered;
	s3 =	sadd.s32 s3, s5;
	[dreg:$0x0] =	wrdreg $0x0  }
0xa8: {  	s5 =	sshll.u32 s28, $0x1;
	[dreg:$0x2] =	wrdreg s3  }
0xa9: {  	[dreg:$0x3] =	wrdreg s5  }
0xaa: {  	[dreg:$0x4] =	wrdreg $0xC0  }
0xab: {  	_ =	task [dreg:s7], $0x5FFFF  }
0xac: {  	[dreg:$0x1] =	wrdreg $0xFFFFFFFF  }
0xad: {  	[dreg:$0x0] =	wrdreg $0x60  }
0xae: {  	[dreg:$0x2] =	wrdreg s2  }
0xaf: {  	[dreg:$0x3] =	wrdreg s24  }
0xb0: {  	[dreg:$0x4] =	wrdreg $0x9  }
0xb1: {  	_ =	task.clear_ibuf [dreg:s7], $0x5FFFF;
	_ =	strace $0x9000004C  }
0xb2: {  	s29 =	simm.s32 $0x9;
	_ =	strace $0x8000004E  }
0xb3: {  	_ =	swait.ge [sflag:s29], $0x1  }
0xb4: {  	[sflag:s29] =	ssyncadd.s32 $0xFFFFFFFF  }
0xb5: {  	_ =	strace $0x9000004E  }
0xb6: {  	_ =	sfence  }
0xb7: {  	s30 =	sld [smem:$0x0];
	_ =	sdelay $0x2  }
0xb8: {  	s31 =	sshll.u32 s1, $0xD;
	s1 =	sshrl.u32 s1, $0x2  }
0xb9: {  	s3 =	sand.u32 $0x4000, s31;
	s1 =	sadd.s32 s1, s30  }
0xba: {  	s0 =	sor.u32 s3, s0;
	s1 =	sshll.u32 s1, $0x11  }
0xbb: {  	s0 =	sor.u32 s1, s0  }
0xbc: {  	s0 =	sadd.s32 $0x8F2B, s0  }
0xbd: {  	[sflag:s0] =	ssyncadd.remote.s32 $0x1  }
0xbe: {  	_ =	sfence.sel $0xFFFF  }
0xbf: {  	[dreg:$0x0] =	wrdreg $0xFFFFFFFF;
	(pc) =	sbr.abs _section_cstart, $3  }
0xc0: {  	[dreg:$0x1] =	wrdreg $0xFFFFFFFF  }
0xc1: {  	_ =	task.clear_ibuf [dreg:s7], $0x2FFFF;
	_ =	strace $0x9FFFFFFF  }
0xc2: {  	(tm) =	ssettm $0x7FFFFFFF  }
0xc3: {  	_ =	shalt  }
tec
execute0_lowered:
.L_overlay_start_1:
0x0: {  	(tag) =	ssettag $0x1  }
0x1: {  	s0 =	srdreg.scid  }
0x2: {  	s2 =	rddreg [dreg:$0x0];
	s6 =	sand.u32 $0x1, s0  }
0x3: {  	s8 =	rddreg [dreg:$0x1];
	s0 =	stileid.u32;
	s1 =	sshll.u32 s6, $0x4  }
0x4: {  	s7 =	simm.s32 $0x1;
	s3 =	sshll.u32 s0, $0x4;
	s9 =	sor.u32 s0, s1  }
0x5: {  	s1 =	rddreg [dreg:$0x2];
	s4 =	sand.u32 $0x70, s3;
	s5 =	sshll.u32 s9, $0x4  }
0x6: {  	s3 =	simm.s32 $0x0;
	s4 =	sadd.s32 s4, s8;
	s5 =	sand.u32 $0x180, s5  }
0x7: {  	s10 =	ssub.s32 $0x2, s6;
	[smem:$0x7FF] =	sst s3;
	s4 =	sadd.s32 s5, s4  }
0x8: {  	_ =	strace $0x8000004D;
	s5 =	sadd.s32 $0x15600, s4;
	s4 =	simm.s32 $0x2  }
0x9: {  	[tilespmem:s3], [sflag:$0x2] =	stream.linear.gather [hbm4b:s5+s3], $0x80, $0x38;
	[tilespmem:$0x4080] =	vst v63  }
0xa: {  	s6 =	simm.s32 $0x80;
	s11 =	sshrl.u32 s10, $0x1;
	_ =	swait.ge [sflag:s4], $0x80  }
0xb: {  	s9 =	sshll.u32 s9, $0xB;
	s31 =	ssub.s32 s10, s11;
	[sflag:s4] =	ssyncset.done $0x0  }
0xc: {  	s8 =	sadd.s32 s9, s8;
	s9 =	smax.u32 s31, $0x1;
	[sflag:s4] =	ssyncadd.s32 $0xFFFFFF80  }
0xd: {  	[tilespmem:s6], [sflag:$0x1] =	stream.indirect.gather [hbm4b:s2+s6], $0x80, s3, s6, $0xb8;
	[tilespmem:$0x4080] =	vst v63  }
0xe: {  	p0 =	sne.s32 s9, $0x1;
	_ =	swait.ge [sflag:s7], $0x4000  }
.Ltmp0:
0xf: {  	[sflag:s7] =	ssyncset.done $0x0;
	(pc) =	sbr.rel @!p0 .LBB2_2-.Ltmp0, $4  }
0x10: {  	s8 =	sadd.s32 $0x1600, s8;
	[sflag:s7] =	ssyncadd.s32 $0xFFFFC000  }
0x11: {  	[hbm4b:s8+s3] =	stream.linear.scatter [tilespmem:s6], [sflag:$0x2], $0x4000, $0x38;
	[tilespmem:$0x4080] =	vst v63  }
0x12: {  	_ =	swait.ge [sflag:s4], $0x4000  }
0x13: {  	s9 =	sadd.s32 $0xFFFFFFFF, s9;
	[sflag:s4] =	ssyncset.done $0x0  }
.LBB2_1:
0x14: {  	p0 =	sne.s32 s9, $0x1;
	s9 =	sadd.s32 $0xFFFFFFFF, s9;
	[sflag:s4] =	ssyncadd.s32 $0xFFFFC000  }
0x15: {  	[tilespmem:s3], [sflag:$0x2] =	stream.linear.gather [hbm4b:s5+s3], $0x80, $0x38;
	[tilespmem:$0x4080] =	vst v63  }
0x16: {  	_ =	swait.ge [sflag:s4], $0x80  }
0x17: {  	[sflag:s4] =	ssyncset.done $0x0  }
0x18: {  	[sflag:s4] =	ssyncadd.s32 $0xFFFFFF80  }
0x19: {  	[tilespmem:s6], [sflag:$0x1] =	stream.indirect.gather [hbm4b:s2+s6], $0x80, s3, s6, $0xb8;
	[tilespmem:$0x4080] =	vst v63  }
0x1a: {  	_ =	swait.ge [sflag:s7], $0x4000  }
.Ltmp1:
0x1b: {  	[sflag:s7] =	ssyncset.done $0x0;
	(pc) =	sbr.rel @p0 .LBB2_1-.Ltmp1, $4  }
0x1c: {  	[sflag:s7] =	ssyncadd.s32 $0xFFFFC000  }
0x1d: {  	[hbm4b:s8+s3] =	stream.linear.scatter [tilespmem:s6], [sflag:$0x2], $0x4000, $0x38;
	[tilespmem:$0x4080] =	vst v63  }
0x1e: {  	_ =	swait.ge [sflag:s4], $0x4000  }
0x1f: {  	[sflag:s4] =	ssyncset.done $0x0  }
.LBB2_2:
0x20: {  	[sflag:s4] =	ssyncadd.s32 $0xFFFFC000  }
0x21: {  	_ =	sfence.sel $0x180000  }
0x22: {  	[bflag:$0x0] =	sbarrier.arrive $0xFFFF  }
0x23: {  	p0 =	sne.s32 s0, $0x0;
	_ =	strace $0x9000004D  }
0x24: {  	s0 =	sadd.s32 @!p0 $0x100000, s1;
	[bflag:$0x2] =	sbarrier.arrive $0xFFFF  }
0x25: {  	[sflag:s0] =	ssyncadd.tile.s32 @!p0 $0x1;
	_ =	shalt  }
.Lfunc_end2:
_tile_overlayer_lowered:
.L_overlay_start_2:
0x26: {  	(tag) =	ssettag $0x2  }
0x27: {  	s0 =	rddreg [dreg:$0x0];
	s2 =	stileid.u32  }
0x28: {  	s1 =	rddreg [dreg:$0x1];
	p0 =	sne.s32 s2, $0x0  }
0x29: {  	s3 =	rddreg [dreg:$0x2];
	[bflag:$0x3] =	sbarrier.arrive $0xFFFF;
	s2 =	simm.s32 @!p0 $0x1C02  }
0x2a: {  	[timem:s3], [sflag:s2] =	dma.local @!p0 [hbm:s0], s1  }
0x2b: {  	s0 =	simm.s32 @!p0 $0x2  }
0x2c: {  	_ =	swait.ge @!p0 [sflag:s0], s1  }
0x2d: {  	s1 =	ssub.s32 @!p0 $0x0, s1;
	[sflag:s0] =	ssyncset.done @!p0 $0x0  }
0x2e: {  	[sflag:s0] =	ssyncadd.s32 @!p0 s1  }
0x2f: {  	[bflag:$0x3] =	sbarrier.arrive $0xFFFF  }
0x30: {  	_ =	shalt  }

// kernel: kernel.8.cloned.1.call-start
scs
__scs_entry_jumppad:
0x0: {  	(pc) =	sbr.rel $0x88, $3  }
0x1: {  	(tag) =	ssettag $0x0;
	lr =	simm.s32 $0x1  }
0x2: {  	[smem:$0x3F9C] =	sst lr;
	_ =	strace $0xD0000000  }
0x3: {  	_ = 	snop  }
0x4: {  	_ = 	snop  }
0x5: {  	_ = 	snop  }
0x6: {  	_ = 	snop  }
0x7: {  	_ = 	snop  }
__scs_overlays_trampoline_lowered:
0x8: {  	[smem:$0x3FAB] =	sst s0  }
0x9: {  	[smem:$0x3FAC] =	sst s1  }
0xa: {  	[smem:$0x3FAD] =	sst s2  }
0xb: {  	[smem:$0x3FAE] =	sst s3  }
0xc: {  	[smem:$0x3FAF] =	sst s4  }
0xd: {  	[smem:$0x3FB0] =	sst s5  }
0xe: {  	[smem:$0x3FB1] =	sst s6  }
0xf: {  	[smem:$0x3FB2] =	sst s7  }
0x10: {  	[smem:$0x3FB3] =	sst s8  }
0x11: {  	[smem:$0x3FB4] =	sst s9;
	s0 =	simm.s32 @!p0 $0x0  }
0x12: {  	s1 =	sld [smem:$0x3F9A];
	s0 =	simm.s32 @p0 $0x1  }
0x13: {  	[smem:$0x3FB5] =	sst s0;
	s0 =	simm.s32 @!p1 $0x0  }
0x14: {  	s2 =	sld [smem:$0x3F99];
	s0 =	simm.s32 @p1 $0x1  }
0x15: {  	[smem:$0x3FB6] =	sst s0;
	s0 =	simm.s32 @!p2 $0x0  }
0x16: {  	s3 =	sld [smem:$0x3FDB];
	s0 =	simm.s32 @p2 $0x1  }
0x17: {  	s4 =	simm.s32 $0x1BF5;
	[smem:$0x3FB8] =	sst s0  }
0x18: {  	s0 =	sld [smem:$0x3F9B];
	_ =	swait.ge [sflag:s4], $0x0  }
0x19: {  	s7 =	sld [smem:$0x3F9C]  }
0x1a: {  	s8 =	sadd.s32 $0xFFFFE003, lr  }
0x1b: {  	s9 =	sadd.s32 $0xFFFFFEF7, lr;
	s5 =	simm.s32 $0xFFFFFFFF;
	p2 =	slt.u32 s8, $0xFFFFF086  }
0x1c: {  	p1 =	slt.u32 s9, $0xF7A;
	s5 =	simm.s32 @!p2 $0x0  }
0x1d: {  	s5 =	simm.s32 @p1 $0x1;
	p0 =	seq.s32 s7, s2  }
0x1e: {  	s7 =	smul.u32 @!p0 $0xF7A, s2;
	p2 =	seq.s32 @!p0 s5, $0x0  }
0x1f: {  	s9 =	smul.u32 $0xF7A, s1;
	s8 =	simm.s32 @!p0 $0x1BF5;
	p2 =	por !p2, p0  }
0x20: {  	[sflag:s8] =	ssyncset.s32 @!p0 $0xFFFFF086;
	s6 =	sadd.s32 @!p0 s3, s7;
	s7 =	simm.s32 @!p0 $0x108  }
0x21: {  	s3 =	sadd.s32 s3, s9;
	s6 =	sadd.s32 @!p0 $0x88, s6;
	s7 =	simm.s32 @p2 $0x1082  }
0x22: {  	[simem:s7], [sflag:s8] =	dma.local @!p0 [hbm:s6], $0xF7A  }
0x23: {  	s9 =	sor.u32 $0xD0000000, s2;
	s6 =	simm.s32 $0x108;
	_ =	swait.ge @!p0 [sflag:s8], $0x0  }
0x24: {  	s3 =	sadd.s32 $0x88, s3;
	s6 =	simm.s32 @!p1 $0x1082;
	[sflag:s4] =	ssyncset.s32 $0xFFFFF086  }
0x25: {  	[simem:s6], [sflag:s4] =	dma.local [hbm:s3], $0xF7A  }
0x26: {  	[smem:$0x3F9C] =	sst s1;
	(tag) =	ssettag s2;
	_ =	strace s9  }
0x27: {  	s1 =	sld [smem:$0x3FAC]  }
0x28: {  	s2 =	sld [smem:$0x3FAD]  }
0x29: {  	s4 =	sld [smem:$0x3FAF]  }
0x2a: {  	p0 =	seq.s32 s5, $0x0;
	s5 =	sld [smem:$0x3FB0]  }
0x2b: {  	s6 =	sld [smem:$0x3FB1]  }
0x2c: {  	s7 =	sld [smem:$0x3FB2]  }
0x2d: {  	s3 =	simm.s32 $0x108;
	s8 =	sld [smem:$0x3FB3]  }
0x2e: {  	s3 =	simm.s32 @!p0 $0x1082;
	s9 =	sld [smem:$0x3FB4]  }
0x2f: {  	lr =	sadd.s32 s0, s3;
	s0 =	sld [smem:$0x3FAB]  }
0x30: {  	s3 =	sld [smem:$0x3FAE]  }
0x31: {  	[smem:$0x3FB7] =	sst s10  }
0x32: {  	s10 =	sld [smem:$0x3FB5];
	_ =	sdelay $0x3  }
0x33: {  	p0 =	seq.s32 s10, $0x1;
	s10 =	sld [smem:$0x3FB7];
	_ =	sdelay $0x3  }
0x34: {  	[smem:$0x3FB7] =	sst s10  }
0x35: {  	s10 =	sld [smem:$0x3FB6];
	_ =	sdelay $0x3  }
0x36: {  	p1 =	seq.s32 s10, $0x1;
	s10 =	sld [smem:$0x3FB7];
	_ =	sdelay $0x3  }
0x37: {  	[smem:$0x3FB7] =	sst s10  }
0x38: {  	s10 =	sld [smem:$0x3FB8]  }
0x39: {  	_ = 	snop;
	(pc) =	sbr.ind lr, $3  }
0x3a: {  	_ = 	snop  }
0x3b: {  	_ = 	snop  }
0x3c: {  	p2 =	seq.s32 s10, $0x1;
	s10 =	sld [smem:$0x3FB7]  }
0x3d: {  	_ =	shalt  }
0x3e: {  	_ =	shalt  }
0x3f: {  	_ =	shalt  }
0x40: {  	_ =	shalt  }
0x41: {  	_ =	shalt  }
0x42: {  	_ =	shalt  }
0x43: {  	_ =	shalt  }
0x44: {  	_ =	shalt  }
0x45: {  	_ =	shalt  }
0x46: {  	_ =	shalt  }
0x47: {  	_ =	shalt  }
0x48: {  	_ =	shalt  }
0x49: {  	_ =	shalt  }
0x4a: {  	_ =	shalt  }
0x4b: {  	_ =	shalt  }
0x4c: {  	_ =	shalt  }
0x4d: {  	_ =	shalt  }
0x4e: {  	_ =	shalt  }
0x4f: {  	_ =	shalt  }
0x50: {  	_ =	shalt  }
0x51: {  	_ =	shalt  }
0x52: {  	_ =	shalt  }
0x53: {  	_ =	shalt  }
0x54: {  	_ =	shalt  }
0x55: {  	_ =	shalt  }
0x56: {  	_ =	shalt  }
0x57: {  	_ =	shalt  }
0x58: {  	_ =	shalt  }
0x59: {  	_ =	shalt  }
0x5a: {  	_ =	shalt  }
0x5b: {  	_ =	shalt  }
0x5c: {  	_ =	shalt  }
0x5d: {  	_ =	shalt  }
0x5e: {  	_ =	shalt  }
0x5f: {  	_ =	shalt  }
0x60: {  	_ =	shalt  }
0x61: {  	_ =	shalt  }
0x62: {  	_ =	shalt  }
0x63: {  	_ =	shalt  }
0x64: {  	_ =	shalt  }
0x65: {  	_ =	shalt  }
0x66: {  	_ =	shalt  }
0x67: {  	_ =	shalt  }
0x68: {  	_ =	shalt  }
0x69: {  	_ =	shalt  }
0x6a: {  	_ =	shalt  }
0x6b: {  	_ =	shalt  }
0x6c: {  	_ =	shalt  }
0x6d: {  	_ =	shalt  }
0x6e: {  	_ =	shalt  }
0x6f: {  	_ =	shalt  }
0x70: {  	_ =	shalt  }
0x71: {  	_ =	shalt  }
0x72: {  	_ =	shalt  }
0x73: {  	_ =	shalt  }
0x74: {  	_ =	shalt  }
0x75: {  	_ =	shalt  }
0x76: {  	_ =	shalt  }
0x77: {  	_ =	shalt  }
0x78: {  	_ =	shalt  }
0x79: {  	_ =	shalt  }
0x7a: {  	_ =	shalt  }
0x7b: {  	_ =	shalt  }
0x7c: {  	_ =	shalt  }
0x7d: {  	_ =	shalt  }
0x7e: {  	_ =	shalt  }
0x7f: {  	_ =	shalt  }
0x80: {  	_ =	shalt  }
0x81: {  	_ =	shalt  }
0x82: {  	_ =	shalt  }
0x83: {  	_ =	shalt  }
0x84: {  	_ =	shalt  }
0x85: {  	_ =	shalt  }
0x86: {  	_ =	shalt  }
0x87: {  	_ =	shalt  }
.Lfunc_end0:
.L_simem_size_0:
called_computation_lowered:
.L_overlay_start_0:
0x88: {  	s2 =	sld [smem:$0x3FD9]  }
0x89: {  	s3 =	sld [smem:$0x3FFE];
	_ =	sdelay $0x1  }
0x8a: {  	s1 =	srdreg.scid  }
0x8b: {  	s0 =	sand.u32 $0x1, s1  }
0x8c: {  	s17 =	sshll.u32 s0, $0xA;
	s2 =	sadd.s32 s3, s2  }
0x8d: {  	s2 =	sadd.s32 s2, s17  }
0x8e: {  	[smem:$0x3FC3] =	sst s2  }
0x8f: {  	_ = 	snop  }
0x90: {  	s2 =	sld [smem:$0x3FD0];
	(tm) =	ssettm $0x1  }
0x91: {  	s18 =	sld [smem:$0x3FFB];
	_ =	sdelay $0x3  }
0x92: {  	_ =	strace s18  }
0x93: {  	s3 =	sld [smem:$0x3FFC];
	_ =	sdelay $0x3  }
0x94: {  	_ =	strace s3  }
0x95: {  	s3 =	sld [smem:$0x3FFD];
	_ =	sdelay $0x3  }
0x96: {  	_ =	strace s3  }
0x97: {  	_ =	strace $0x8FFFFFFF  }
0x98: {  	s19 =	sld [smem:$0x3FDB];
	_ =	sdelay $0x1  }
0x99: {  	s4 =	simm.s32 $_scs_section_size  }
0x9a: {  	s5 =	simm.s32 $_size__tile_overlayer_lowered;
	s6 =	simm.s32 $_tile_overlayer_lowered  }
0x9b: {  	s22 =	simm.s32 $0x1BFF;
	s21 =	sshll.u32 s6, $0x1;
	s3 =	sadd.s32 s4, s19  }
0x9c: {  	s7 =	simm.s32 $0x0;
	s20 =	sshll.u32 s5, $0x1;
	s5 =	sadd.s32 s21, s3  }
0x9d: {  	[timem:s7], [sflag:s22] =	dma.local [hbm:s5], s20  }
0x9e: {  	_ =	swait.ge [sflag:s22], s20  }
0x9f: {  	s4 =	ssub.s32 $0x0, s20;
	[sflag:s22] =	ssyncset.done $0x0  }
0xa0: {  	[sflag:s22] =	ssyncadd.s32 s4;
	_ =	sdelay $0x1  }
0xa1: {  	s23 =	simm.s32 $0x1B8B  }
0xa2: {  	_ =	swait.ge [sflag:s23], $0x1  }
0xa3: {  	[sflag:s23] =	ssyncset.done $0x0  }
0xa4: {  	s25 =	simm.s32 $0x1B8E;
	s24 =	sld [smem:$0x3FFE];
	[sflag:s23] =	ssyncadd.s32 $0xFFFFFFFF  }
0xa5: {  	s26 =	simm.s32 $execute0_lowered;
	[smem:$0x3FD2] =	sst s25  }
0xa6: {  	s5 =	sshll.u32 s26, $0x1;
	_ =	strace $0x80000046;
	[dreg:$0x1] =	wrdreg $0xFFFFFFFF  }
0xa7: {  	s28 =	simm.s32 $_size_execute0_lowered;
	s3 =	sadd.s32 s3, s5;
	[dreg:$0x0] =	wrdreg $0x0  }
0xa8: {  	s5 =	sshll.u32 s28, $0x1;
	[dreg:$0x2] =	wrdreg s3  }
0xa9: {  	[dreg:$0x3] =	wrdreg s5  }
0xaa: {  	[dreg:$0x4] =	wrdreg $0xC0  }
0xab: {  	_ =	task [dreg:s7], $0x5FFFF  }
0xac: {  	[dreg:$0x1] =	wrdreg $0xFFFFFFFF  }
0xad: {  	[dreg:$0x0] =	wrdreg $0x60  }
0xae: {  	[dreg:$0x2] =	wrdreg s24  }
0xaf: {  	[dreg:$0x3] =	wrdreg s2  }
0xb0: {  	[dreg:$0x4] =	wrdreg $0xB8000  }
0xb1: {  	[dreg:$0x5] =	wrdreg $0x9  }
0xb2: {  	_ =	task.clear_ibuf [dreg:s7], $0x6FFFF;
	_ =	strace $0x90000046  }
0xb3: {  	s29 =	simm.s32 $0x9;
	_ =	strace $0x80000048  }
0xb4: {  	_ =	swait.ge [sflag:s29], $0x1  }
0xb5: {  	[sflag:s29] =	ssyncadd.s32 $0xFFFFFFFF  }
0xb6: {  	_ =	strace $0x90000048  }
0xb7: {  	_ =	sfence  }
0xb8: {  	s30 =	sld [smem:$0x0];
	_ =	sdelay $0x2  }
0xb9: {  	s31 =	sshll.u32 s1, $0xD;
	s1 =	sshrl.u32 s1, $0x2  }
0xba: {  	s3 =	sand.u32 $0x4000, s31;
	s1 =	sadd.s32 s1, s30  }
0xbb: {  	s0 =	sor.u32 s3, s0;
	s1 =	sshll.u32 s1, $0x11  }
0xbc: {  	s0 =	sor.u32 s1, s0  }
0xbd: {  	s0 =	sadd.s32 $0x8F2B, s0  }
0xbe: {  	[sflag:s0] =	ssyncadd.remote.s32 $0x1  }
0xbf: {  	_ =	sfence.sel $0xFFFF  }
0xc0: {  	[dreg:$0x0] =	wrdreg $0xFFFFFFFF;
	(pc) =	sbr.abs _section_cstart, $3  }
0xc1: {  	[dreg:$0x1] =	wrdreg $0xFFFFFFFF  }
0xc2: {  	_ =	task.clear_ibuf [dreg:s7], $0x2FFFF;
	_ =	strace $0x9FFFFFFF  }
0xc3: {  	(tm) =	ssettm $0x7FFFFFFF  }
tec
execute0_lowered:
.L_overlay_start_1:
0x0: {  	(tag) =	ssettag $0x1  }
0x1: {  	s5 =	rddreg [dreg:$0x0]  }
0x2: {  	s11 =	rddreg [dreg:$0x1]  }
0x3: {  	s1 =	rddreg [dreg:$0x2]  }
0x4: {  	s0 =	rddreg [dreg:$0x3]  }
0x5: {  	s2 =	simm.s32 $0x0;
	s4 =	srdreg.scid;
	s3 =	stileid.u32  }
0x6: {  	s18 =	simm.s32 $0x0;
	[smem:$0x7FF] =	sst s2;
	s6 =	smul.u32 $0x50000, s3  }
0x7: {  	s9 =	sadd.s32 $0xB600, s5;
	s10 =	sadd.s32 $0x1600, s5;
	s12 =	smul.u32 $0x1400, s3  }
0x8: {  	s13 =	sand.u32 $0x1, s4;
	s4 =	sadd.s32 $0x15600, s5;
	s30 =	smul.u32 $0x14000, s3  }
0x9: {  	s5 =	sadd.s32 $0x3C800, s5;
	s28 =	sshll.u32 s3, $0x6;
	s17 =	smul.u32 $0x780, s3  }
0xa: {  	_ =	strace $0x80000047;
	s7 =	ssub.s32 $0x2, s13;
	s16 =	smul.u32 $0x140000, s13  }
0xb: {  	p0 =	sne.s32 s13, $0x0;
	s8 =	sshrl.u32 s7, $0x1;
	s6 =	sshrl.u32 s6, $0x2  }
0xc: {  	s29 =	sshrl.u32 s12, $0x3;
	s14 =	ssub.s32 s7, s8;
	s15 =	sadd.s32 s6, s1  }
0xd: {  	s6 =	sor.u32 $0x1C02, s28;
	s31 =	sadd.s32 $0x7800, s29;
	s12 =	sadd.s32 s30, s16  }
0xe: {  	s16 =	simm.s32 $0x7800;
	s7 =	sadd.s32 s9, s31;
	s8 =	sadd.s32 s10, s31  }
0xf: {  	s9 =	sadd.s32 s9, s17;
	s10 =	sadd.s32 s10, s17;
	s12 =	sshrl.u32 s12, $0x3  }
0x10: {  	s13 =	sshrl.u32 s15, $0x3;
	s15 =	simm.s32 $0x80;
	s17 =	simm.s32 $0x1  }
0x11: {  	s11 =	sadd.s32 s11, s12;
	s12 =	smax.u32 s14, $0x1;
	s14 =	simm.s32 $0x2  }
.LBB2_1:
0x12: {  	[spmem:s13], [sflag:s6] =	dma.local [hbm:s5], $0x2800  }
0x13: {  	_ =	swait.ge [sflag:s14], $0x2800  }
0x14: {  	[sflag:s14] =	ssyncset.done $0x0  }
0x15: {  	s19 =	simm.s32 @p0 $0x0;
	s20 =	simm.s32 @p0 $0x2;
	[sflag:s14] =	ssyncadd.s32 $0xFFFFD800  }
0x16: {  	[tilespmem:s19], [sflag:$0x2] =	stream.linear.gather @p0 [hbm4b:s7+s19], $0x1400, $0x38;
	[tilespmem:$0x1F800] =	vst v63  }
0x17: {  	_ =	swait.ge @p0 [sflag:s20], $0x1400  }
0x18: {  	[sflag:s20] =	ssyncset.done @p0 $0x0  }
0x19: {  	s21 =	simm.s32 @p0 $0x3C00;
	[sflag:s20] =	ssyncadd.s32 @p0 $0xFFFFEC00  }
0x1a: {  	[tilespmem:s21], [sflag:$0x2] =	stream.linear.gather @p0 [hbm4b:s8+s19], $0x1400, $0x38;
	[tilespmem:$0x1F800] =	vst v63  }
0x1b: {  	_ =	swait.ge @p0 [sflag:s20], $0x1400  }
0x1c: {  	[sflag:s20] =	ssyncset.done @p0 $0x0  }
0x1d: {  	s19 =	simm.s32 @!p0 $0x0;
	[sflag:s20] =	ssyncadd.s32 @p0 $0xFFFFEC00;
	s20 =	simm.s32 @!p0 $0x2  }
0x1e: {  	[tilespmem:s19], [sflag:$0x2] =	stream.linear.gather @!p0 [hbm4b:s9+s19], $0x3C00, $0x38;
	[tilespmem:$0x1F800] =	vst v63  }
0x1f: {  	_ =	swait.ge @!p0 [sflag:s20], $0x3C00  }
0x20: {  	[sflag:s20] =	ssyncset.done @!p0 $0x0  }
0x21: {  	s21 =	simm.s32 @!p0 $0x3C00;
	[sflag:s20] =	ssyncadd.s32 @!p0 $0xFFFFC400  }
0x22: {  	[tilespmem:s21], [sflag:$0x2] =	stream.linear.gather @!p0 [hbm4b:s10+s19], $0x3C00, $0x38;
	[tilespmem:$0x1F800] =	vst v63  }
0x23: {  	_ =	swait.ge @!p0 [sflag:s20], $0x3C00  }
0x24: {  	[sflag:s20] =	ssyncset.done @!p0 $0x0  }
0x25: {  	[sflag:s20] =	ssyncadd.s32 @!p0 $0xFFFFC400;
	s20 =	simm.s32 @!p0 $0x78  }
0x26: {  	[bflag:$0x0] =	sbarrier.arrive $0xFFFF;
	s20 =	simm.s32 @p0 $0x28  }
0x27: {  	[tilespmem:s16], [sflag:$0x1] =	stream.indirect.gather [hbm4b:s4+s15], $0x80, s2, s15, $0xb8;
	[tilespmem:$0x1F800] =	vst v63  }
0x28: {  	p1 =	sne.s32 s20, $0x1;
	_ =	swait.ge [sflag:s17], $0x4000  }
.Ltmp0:
0x29: {  	[sflag:s17] =	ssyncset.done $0x0;
	(pc) =	sbr.rel @!p1 .LBB2_3-.Ltmp0, $4  }
0x2a: {  	s19 =	simm.s32 $0x3C00;
	[sflag:s17] =	ssyncadd.s32 $0xFFFFC000  }
0x2b: {  	[spmem:s1] =	stream.indirect.scatter.add.f32 [tilespmem:s16], [sflag:$0x2], $0x80, s19, s15, $0xb8;
	[tilespmem:$0x1F800] =	vst v63  }
0x2c: {  	_ =	swait.ge [sflag:s14], $0x4000  }
0x2d: {  	s21 =	simm.s32 $0x0;
	s20 =	sadd.s32 $0xFFFFFFFF, s20;
	[sflag:s14] =	ssyncset.done $0x0  }
.LBB2_2:
0x2e: {  	[sflag:s14] =	ssyncadd.s32 $0xFFFFC000;
	s21 =	sadd.s32 $0x80, s21;
	s19 =	sadd.s32 $0x80, s19  }
0x2f: {  	[tilespmem:s16], [sflag:$0x1] =	stream.indirect.gather [hbm4b:s4+s15], $0x80, s21, s15, $0xb8;
	[tilespmem:$0x1F800] =	vst v63  }
0x30: {  	p1 =	sne.s32 s20, $0x1;
	s20 =	sadd.s32 $0xFFFFFFFF, s20;
	_ =	swait.ge [sflag:s17], $0x4000  }
.Ltmp1:
0x31: {  	[sflag:s17] =	ssyncset.done $0x0;
	(pc) =	sbr.rel @p1 .LBB2_2-.Ltmp1, $4  }
0x32: {  	[sflag:s17] =	ssyncadd.s32 $0xFFFFC000  }
0x33: {  	[spmem:s1] =	stream.indirect.scatter.add.f32 [tilespmem:s16], [sflag:$0x2], $0x80, s19, s15, $0xb8;
	[tilespmem:$0x1F800] =	vst v63  }
0x34: {  	_ =	swait.ge [sflag:s14], $0x4000  }
0x35: {  	[sflag:s14] =	ssyncset.done $0x0  }
.LBB2_3:
0x36: {  	s18 =	sadd.s32 $0x1, s18  }
0x37: {  	[sflag:s14] =	ssyncadd.s32 $0xFFFFC000;
	p1 =	sne.s32 s18, s12  }
.Ltmp2:
0x38: {  	[bflag:$0x0] =	sbarrier.arrive $0xFFFF;
	(pc) =	sbr.rel @p1 .LBB2_1-.Ltmp2, $4  }
0x39: {  	[hbm:s11], [sflag:s6] =	dma.local [spmem:s13], $0x2800  }
0x3a: {  	_ =	swait.ge [sflag:s14], $0x2800  }
0x3b: {  	[sflag:s14] =	ssyncset.done $0x0  }
0x3c: {  	[sflag:s14] =	ssyncadd.s32 $0xFFFFD800  }
0x3d: {  	_ =	sfence.sel $0x180000  }
0x3e: {  	[bflag:$0x0] =	sbarrier.arrive $0xFFFF  }
0x3f: {  	p0 =	sne.s32 s3, $0x0;
	_ =	strace $0x90000047  }
0x40: {  	s0 =	sadd.s32 @!p0 $0x100000, s0;
	[bflag:$0x2] =	sbarrier.arrive $0xFFFF  }
0x41: {  	[sflag:s0] =	ssyncadd.tile.s32 @!p0 $0x1;
	_ =	shalt  }
.Lfunc_end2:
_tile_overlayer_lowered:
.L_overlay_start_2:
0x42: {  	(tag) =	ssettag $0x2  }
0x43: {  	s0 =	rddreg [dreg:$0x0];
	s2 =	stileid.u32  }
0x44: {  	s1 =	rddreg [dreg:$0x1];
	p0 =	sne.s32 s2, $0x0  }
0x45: {  	s3 =	rddreg [dreg:$0x2];
	[bflag:$0x3] =	sbarrier.arrive $0xFFFF;
	s2 =	simm.s32 @!p0 $0x1C02  }
0x46: {  	[timem:s3], [sflag:s2] =	dma.local @!p0 [hbm:s0], s1  }
0x47: {  	s0 =	simm.s32 @!p0 $0x2  }
0x48: {  	_ =	swait.ge @!p0 [sflag:s0], s1  }
0x49: {  	s1 =	ssub.s32 @!p0 $0x0, s1;
	[sflag:s0] =	ssyncset.done @!p0 $0x0  }
0x4a: {  	[sflag:s0] =	ssyncadd.s32 @!p0 s1  }
0x4b: {  	[bflag:$0x3] =	sbarrier.arrive $0xFFFF  }
0x4c: {  	_ =	shalt  }

</sc_bundles>
